<compile_context>
chip_gen: v7x
topology: tpu7x:2x2x1
jax: 0.10.2.dev20260603
libtpu: 0.0.44.dev20260713+nightly
codegen_flags: <defaults>
</compile_context>

<pallas_src>
import functools

import jax
import jax.numpy as jnp
from jax import lax
from jax.experimental import pallas as pl
from jax.experimental.pallas import tpu as pltpu
from jax.experimental.pallas import tpu_sc as plsc

NC = 1
NS = 16
NW = NC * NS
CHUNK = 88
NBUF = 4


def _sc_scatter(feat, src4, dst4, n_pad, groups, d):
    zrows = n_pad // NS

    mesh = plsc.VectorSubcoreMesh(core_axis_name="c", subcore_axis_name="s", num_cores=1)

    @functools.partial(
        pl.kernel,
        out_type=jax.ShapeDtypeStruct((NC, n_pad, d), jnp.float32),
        mesh=mesh,
        scratch_types=[
            pltpu.VMEM((2, 2, NBUF, CHUNK), jnp.int32),
            pltpu.VMEM((NBUF, CHUNK, d), jnp.float32),
            pltpu.VMEM_SHARED((n_pad, d), jnp.float32),
            pltpu.SemaphoreType.DMA((NBUF,)),
            pltpu.SemaphoreType.DMA((2,)),
        ],
    )
    def k(feat_h, src_h, dst_h, out_h, idx_v, rows, acc, gsem, isem):
        c = lax.axis_index("c")
        s = lax.axis_index("s")
        wid = c * NS + s

        @pl.loop(0, CHUNK)
        def _(i):
            for kk in range(d // 16):
                rows[0, i, pl.ds(kk * 16, 16)] = jnp.zeros((16,), jnp.float32)

        nz = zrows // CHUNK
        for z in range(nz):
            pltpu.sync_copy(rows.at[0],
                            acc.at[pl.ds(s * zrows + z * CHUNK, CHUNK)])
        rem = zrows - nz * CHUNK
        if rem:
            pltpu.sync_copy(rows.at[0, pl.ds(0, rem)],
                            acc.at[pl.ds(s * zrows + nz * CHUNK, rem)])
        plsc.subcore_barrier()

        pltpu.sync_copy(src_h.at[wid, 0], idx_v.at[0, 0])
        pltpu.sync_copy(dst_h.at[wid, 0], idx_v.at[0, 1])
        for b in range(NBUF):
            pltpu.async_copy(feat_h.at[idx_v.at[0, 0, b]], rows.at[b],
                             gsem.at[b])
        if groups > 1:
            pltpu.async_copy(src_h.at[wid, 1], idx_v.at[1, 0], isem.at[0])
            pltpu.async_copy(dst_h.at[wid, 1], idx_v.at[1, 1], isem.at[1])

        @pl.loop(0, groups)
        def _(g):
            ib = lax.rem(g, 2)
            ib2 = lax.rem(g + 1, 2)

            @pl.when(g + 1 < groups)
            def _():
                pltpu.make_async_copy(src_h.at[wid, 0], idx_v.at[ib2, 0],
                                      isem.at[0]).wait()
                pltpu.make_async_copy(dst_h.at[wid, 0], idx_v.at[ib2, 1],
                                      isem.at[1]).wait()

            for b in range(NBUF):
                pltpu.make_async_copy(feat_h.at[idx_v.at[0, 0, 0]],
                                      rows.at[b], gsem.at[b]).wait()
                pltpu.sync_copy(rows.at[b], acc.at[idx_v.at[ib, 1, b]],
                                add=True)

                @pl.when(g + 1 < groups)
                def _():
                    pltpu.async_copy(feat_h.at[idx_v.at[ib2, 0, b]],
                                     rows.at[b], gsem.at[b])

            @pl.when(g + 2 < groups)
            def _():
                pltpu.async_copy(src_h.at[wid, g + 2], idx_v.at[ib, 0],
                                 isem.at[0])
                pltpu.async_copy(dst_h.at[wid, g + 2], idx_v.at[ib, 1],
                                 isem.at[1])

        plsc.subcore_barrier()
        pltpu.sync_copy(acc.at[pl.ds(s * zrows, zrows)],
                        out_h.at[c, pl.ds(s * zrows, zrows)])

    return k(feat, src4, dst4)


def _tc_combine(eps, feat, p0, rb):
    n, d = feat.shape

    def body(eps_ref, feat_ref, p0_ref, out_ref):
        out_ref[...] = (1.0 + eps_ref[0]) * feat_ref[...] + p0_ref[...]

    return pl.pallas_call(
        body,
        out_shape=jax.ShapeDtypeStruct((n, d), jnp.float32),
        grid=(n // rb,),
        in_specs=[
            pl.BlockSpec(memory_space=pltpu.SMEM),
            pl.BlockSpec((rb, d), lambda i: (i, 0)),
            pl.BlockSpec((rb, d), lambda i: (i, 0)),
        ],
        out_specs=pl.BlockSpec((rb, d), lambda i: (i, 0)),
    )(eps, feat, p0)


def kernel(feat, edge_index, radius, exp, eps):
    del radius, exp
    n, d = feat.shape
    e = edge_index.shape[1]

    q = -(-e // (NW * CHUNK))
    q = -(-q // NBUF) * NBUF
    groups = q // NBUF
    e_pad = NW * q * CHUNK
    n_pad = -(-(n + 1) // (NS * 8)) * (NS * 8)

    pad = e_pad - e
    src = jnp.concatenate([edge_index[0], jnp.zeros((pad,), jnp.int32)])
    dst = jnp.concatenate([edge_index[1], jnp.full((pad,), n, jnp.int32)])
    src4 = src.reshape(NW, groups, NBUF, CHUNK)
    dst4 = dst.reshape(NW, groups, NBUF, CHUNK)

    partials = _sc_scatter(feat, src4, dst4, n_pad, groups, d)
    return _tc_combine(eps, feat, partials[0, :n], rb=1000)

# --- scband reference (transcript-rebuilt; emitter-appended) ---
"""Pipeline reference for scband-rrgraph-conv-72344429133898 (READ-ONLY COPY).

The authoritative reference and input builder live on the scoring server;
editing this copy changes nothing except your own understanding.
"""

import jax, jax.numpy as jnp
import numpy as np

N = 10000
E = 320000
D = 128


def setup_inputs(seed: int = 0) -> dict:
    key = jax.random.key(seed)
    k1, k2, k3 = jax.random.split(key, 3)
    feat = jax.random.normal(k1, (N, D), dtype=jnp.float32)
    edge_index = jax.random.randint(k2, (2, E), 0, N, dtype=jnp.int32)
    # radius (edge weights) strictly positive so log() is finite
    radius = jax.random.uniform(k3, (E,), dtype=jnp.float32, minval=0.01, maxval=1.0)
    # buffers from the module (learnable_exp=False, learnable_eps=False)
    exp = jnp.array([-2.0], dtype=jnp.float32)
    eps = jnp.array([0.0], dtype=jnp.float32)
    return {"feat": feat, "edge_index": edge_index, "radius": radius, "exp": exp, "eps": eps}


def reference(feat, edge_index, radius, exp, eps):
    # Homogeneous graph: feat_src = feat_dst = feat (expand_as_pair)
    src = edge_index[0]
    dst = edge_index[1]
    # _aggregate: message per edge
    edge_weight = jnp.exp(jnp.log(radius) * exp[0]).reshape(-1, 1)
    msg = jnp.ones_like(edge_weight) * feat[src]
    # _reducer: sum of mailbox over incoming edges -> scatter-add by dst
    agg = jax.ops.segment_sum(msg, dst, num_segments=feat.shape[0])
    # rst = (1 + eps) * feat_dst + aggregated
    rst = (1.0 + eps[0]) * feat + agg
    # in_dim == out_dim and apply_func is None -> no linear applied
    return rst

if __name__ == "__main__":
    import jax
    _d = setup_inputs()
    print(jax.jit(kernel)(*tuple(_d.values())))

</pallas_src>

<mosaic_0001>
#map = affine_map<(d0, d1) -> (0, 0)>
#map1 = affine_map<(d0, d1) -> (0, 0, 0, 0)>
#map2 = affine_map<(d0, d1) -> (0, 0, 0)>
module attributes {stable_mosaic.version = 14 : i64} {
  func.func @k(%arg0: i32, %arg1: i32, %arg2: memref<10000x128xf32, #tpu.memory_space<hbm>>, %arg3: memref<16x57x4x88xi32, #tpu.memory_space<hbm>>, %arg4: memref<16x57x4x88xi32, #tpu.memory_space<hbm>>, %arg5: memref<1x10112x128xf32, #tpu.memory_space<hbm>>, %arg6: memref<2x2x4x88xi32, #tpu.memory_space<vmem>>, %arg7: memref<4x88x128xf32, #tpu.memory_space<vmem>>, %arg8: memref<10112x128xf32, #tpu.memory_space<vmem_shared>>, %arg9: memref<4x!tpu.dma_semaphore, #tpu.memory_space<semaphore_mem>>, %arg10: memref<2x!tpu.dma_semaphore, #tpu.memory_space<semaphore_mem>>) attributes {dimension_semantics = [#tpu.dimension_semantics<core_parallel>, #tpu.dimension_semantics<subcore_parallel>], iteration_bounds = array<i64: 1, 16>, scalar_prefetch = 0 : i64, scratch_operands = 5 : i64, tpu.core_type = #tpu.core_type<sc_vector_subcore>, window_params = [{transform_indices = #map}, {transform_indices = #map1}, {transform_indices = #map1}, {transform_indices = #map2}]} {
    %mul3A = arith.constant 16 : i32
    %mul3A_0 = arith.muli %arg0, %mul3A : i32
    %add3A = arith.addi %mul3A_0, %arg1 : i32
    %scan3A = arith.constant 0 : i32
    %scan3A_1 = arith.constant 88 : i32
    %scan3A_2 = arith.addi %scan3A, %scan3A_1 : i32
    %scan3A_3 = arith.constant 1 : i32
    scf.for %scan3A_171 = %scan3A to %scan3A_2 step %scan3A_3  : i32 {
      %mul3A_172 = arith.constant 1 : i32
      %mul3A_173 = arith.muli %scan3A_171, %mul3A_172 : i32
      %add3A_174 = arith.constant 0 : i32
      %add3A_175 = arith.addi %add3A_174, %mul3A_173 : i32
      %broadcast_in_dim3A = arith.constant 0.000000e+00 : f32
      %broadcast_in_dim3A_176 = vector.broadcast %broadcast_in_dim3A : f32 to vector<16xf32>
      %swap3A = arith.constant 0 : i32
      %swap3A_177 = arith.index_cast %swap3A : i32 to index
      %swap3A_178 = arith.index_cast %add3A_175 : i32 to index
      %swap3A_179 = arith.constant 0 : index
      %swap3A_180 = tpu.vector_load %arg7[%swap3A_177, %swap3A_178, %swap3A_179] {strides = array<i32>} : memref<4x88x128xf32, #tpu.memory_space<vmem>>, vector<1x1x16xf32>,
      %swap3A_181 = vector.shape_cast %swap3A_180 : vector<1x1x16xf32> to vector<16xf32>
      %swap3A_182 = vector.shape_cast %broadcast_in_dim3A_176 : vector<16xf32> to vector<1x1x16xf32>
      tpu.vector_store %arg7[%swap3A_177, %swap3A_178, %swap3A_179], %swap3A_182 {strides = array<i32>} : memref<4x88x128xf32, #tpu.memory_space<vmem>>, vector<1x1x16xf32>,
      %broadcast_in_dim3A_183 = arith.constant 0.000000e+00 : f32
      %broadcast_in_dim3A_184 = vector.broadcast %broadcast_in_dim3A_183 : f32 to vector<16xf32>
      %swap3A_185 = arith.constant 0 : i32
      %swap3A_186 = arith.index_cast %swap3A_185 : i32 to index
      %swap3A_187 = arith.index_cast %add3A_175 : i32 to index
      %swap3A_188 = arith.constant 16 : index
      %swap3A_189 = tpu.vector_load %arg7[%swap3A_186, %swap3A_187, %swap3A_188] {strides = array<i32>} : memref<4x88x128xf32, #tpu.memory_space<vmem>>, vector<1x1x16xf32>,
      %swap3A_190 = vector.shape_cast %swap3A_189 : vector<1x1x16xf32> to vector<16xf32>
      %swap3A_191 = vector.shape_cast %broadcast_in_dim3A_184 : vector<16xf32> to vector<1x1x16xf32>
      tpu.vector_store %arg7[%swap3A_186, %swap3A_187, %swap3A_188], %swap3A_191 {strides = array<i32>} : memref<4x88x128xf32, #tpu.memory_space<vmem>>, vector<1x1x16xf32>,
      %broadcast_in_dim3A_192 = arith.constant 0.000000e+00 : f32
      %broadcast_in_dim3A_193 = vector.broadcast %broadcast_in_dim3A_192 : f32 to vector<16xf32>
      %swap3A_194 = arith.constant 0 : i32
      %swap3A_195 = arith.index_cast %swap3A_194 : i32 to index
      %swap3A_196 = arith.index_cast %add3A_175 : i32 to index
      %swap3A_197 = arith.constant 32 : index
      %swap3A_198 = tpu.vector_load %arg7[%swap3A_195, %swap3A_196, %swap3A_197] {strides = array<i32>} : memref<4x88x128xf32, #tpu.memory_space<vmem>>, vector<1x1x16xf32>,
      %swap3A_199 = vector.shape_cast %swap3A_198 : vector<1x1x16xf32> to vector<16xf32>
      %swap3A_200 = vector.shape_cast %broadcast_in_dim3A_193 : vector<16xf32> to vector<1x1x16xf32>
      tpu.vector_store %arg7[%swap3A_195, %swap3A_196, %swap3A_197], %swap3A_200 {strides = array<i32>} : memref<4x88x128xf32, #tpu.memory_space<vmem>>, vector<1x1x16xf32>,
      %broadcast_in_dim3A_201 = arith.constant 0.000000e+00 : f32
      %broadcast_in_dim3A_202 = vector.broadcast %broadcast_in_dim3A_201 : f32 to vector<16xf32>
      %swap3A_203 = arith.constant 0 : i32
      %swap3A_204 = arith.index_cast %swap3A_203 : i32 to index
      %swap3A_205 = arith.index_cast %add3A_175 : i32 to index
      %swap3A_206 = arith.constant 48 : index
      %swap3A_207 = tpu.vector_load %arg7[%swap3A_204, %swap3A_205, %swap3A_206] {strides = array<i32>} : memref<4x88x128xf32, #tpu.memory_space<vmem>>, vector<1x1x16xf32>,
      %swap3A_208 = vector.shape_cast %swap3A_207 : vector<1x1x16xf32> to vector<16xf32>
      %swap3A_209 = vector.shape_cast %broadcast_in_dim3A_202 : vector<16xf32> to vector<1x1x16xf32>
      tpu.vector_store %arg7[%swap3A_204, %swap3A_205, %swap3A_206], %swap3A_209 {strides = array<i32>} : memref<4x88x128xf32, #tpu.memory_space<vmem>>, vector<1x1x16xf32>,
      %broadcast_in_dim3A_210 = arith.constant 0.000000e+00 : f32
      %broadcast_in_dim3A_211 = vector.broadcast %broadcast_in_dim3A_210 : f32 to vector<16xf32>
      %swap3A_212 = arith.constant 0 : i32
      %swap3A_213 = arith.index_cast %swap3A_212 : i32 to index
      %swap3A_214 = arith.index_cast %add3A_175 : i32 to index
      %swap3A_215 = arith.constant 64 : index
      %swap3A_216 = tpu.vector_load %arg7[%swap3A_213, %swap3A_214, %swap3A_215] {strides = array<i32>} : memref<4x88x128xf32, #tpu.memory_space<vmem>>, vector<1x1x16xf32>,
      %swap3A_217 = vector.shape_cast %swap3A_216 : vector<1x1x16xf32> to vector<16xf32>
      %swap3A_218 = vector.shape_cast %broadcast_in_dim3A_211 : vector<16xf32> to vector<1x1x16xf32>
      tpu.vector_store %arg7[%swap3A_213, %swap3A_214, %swap3A_215], %swap3A_218 {strides = array<i32>} : memref<4x88x128xf32, #tpu.memory_space<vmem>>, vector<1x1x16xf32>,
      %broadcast_in_dim3A_219 = arith.constant 0.000000e+00 : f32
      %broadcast_in_dim3A_220 = vector.broadcast %broadcast_in_dim3A_219 : f32 to vector<16xf32>
      %swap3A_221 = arith.constant 0 : i32
      %swap3A_222 = arith.index_cast %swap3A_221 : i32 to index
      %swap3A_223 = arith.index_cast %add3A_175 : i32 to index
      %swap3A_224 = arith.constant 80 : index
      %swap3A_225 = tpu.vector_load %arg7[%swap3A_222, %swap3A_223, %swap3A_224] {strides = array<i32>} : memref<4x88x128xf32, #tpu.memory_space<vmem>>, vector<1x1x16xf32>,
      %swap3A_226 = vector.shape_cast %swap3A_225 : vector<1x1x16xf32> to vector<16xf32>
      %swap3A_227 = vector.shape_cast %broadcast_in_dim3A_220 : vector<16xf32> to vector<1x1x16xf32>
      tpu.vector_store %arg7[%swap3A_222, %swap3A_223, %swap3A_224], %swap3A_227 {strides = array<i32>} : memref<4x88x128xf32, #tpu.memory_space<vmem>>, vector<1x1x16xf32>,
      %broadcast_in_dim3A_228 = arith.constant 0.000000e+00 : f32
      %broadcast_in_dim3A_229 = vector.broadcast %broadcast_in_dim3A_228 : f32 to vector<16xf32>
      %swap3A_230 = arith.constant 0 : i32
      %swap3A_231 = arith.index_cast %swap3A_230 : i32 to index
      %swap3A_232 = arith.index_cast %add3A_175 : i32 to index
      %swap3A_233 = arith.constant 96 : index
      %swap3A_234 = tpu.vector_load %arg7[%swap3A_231, %swap3A_232, %swap3A_233] {strides = array<i32>} : memref<4x88x128xf32, #tpu.memory_space<vmem>>, vector<1x1x16xf32>,
      %swap3A_235 = vector.shape_cast %swap3A_234 : vector<1x1x16xf32> to vector<16xf32>
      %swap3A_236 = vector.shape_cast %broadcast_in_dim3A_229 : vector<16xf32> to vector<1x1x16xf32>
      tpu.vector_store %arg7[%swap3A_231, %swap3A_232, %swap3A_233], %swap3A_236 {strides = array<i32>} : memref<4x88x128xf32, #tpu.memory_space<vmem>>, vector<1x1x16xf32>,
      %broadcast_in_dim3A_237 = arith.constant 0.000000e+00 : f32
      %broadcast_in_dim3A_238 = vector.broadcast %broadcast_in_dim3A_237 : f32 to vector<16xf32>
      %swap3A_239 = arith.constant 0 : i32
      %swap3A_240 = arith.index_cast %swap3A_239 : i32 to index
      %swap3A_241 = arith.index_cast %add3A_175 : i32 to index
      %swap3A_242 = arith.constant 112 : index
      %swap3A_243 = tpu.vector_load %arg7[%swap3A_240, %swap3A_241, %swap3A_242] {strides = array<i32>} : memref<4x88x128xf32, #tpu.memory_space<vmem>>, vector<1x1x16xf32>,
      %swap3A_244 = vector.shape_cast %swap3A_243 : vector<1x1x16xf32> to vector<16xf32>
      %swap3A_245 = vector.shape_cast %broadcast_in_dim3A_238 : vector<16xf32> to vector<1x1x16xf32>
      tpu.vector_store %arg7[%swap3A_240, %swap3A_241, %swap3A_242], %swap3A_245 {strides = array<i32>} : memref<4x88x128xf32, #tpu.memory_space<vmem>>, vector<1x1x16xf32>,
    }
    %scan3A_4 = arith.constant 88 : i32
    %mul3A_5 = arith.constant 632 : i32
    %mul3A_6 = arith.muli %arg1, %mul3A_5 : i32
    %add3A_7 = arith.constant 0 : i32
    %add3A_8 = arith.addi %mul3A_6, %add3A_7 : i32
    %run_scoped3A = arith.constant 0 : i32
    "tpu.region"() ({
      %run_scoped3A_171 = tpu.sem_alloc : memref<!tpu.dma_semaphore, #tpu.memory_space<semaphore_mem>>
      %dma_start3A_172 = arith.constant 0 : i32
      %dma_start3A_173 = arith.constant 0 : i32
      %dma_start3A_174 = tpu.memref_slice %arg7[%run_scoped3A, %dma_start3A_172, %dma_start3A_173] : memref<4x88x128xf32, #tpu.memory_space<vmem>> -> memref<1x88x128xf32, #tpu.memory_space<vmem>>
      %dma_start3A_175 = tpu.memref_squeeze %dma_start3A_174 : memref<1x88x128xf32, #tpu.memory_space<vmem>> -> memref<88x128xf32, #tpu.memory_space<vmem>>
      %dma_start3A_176 = arith.constant 0 : i32
      %dma_start3A_177 = tpu.memref_slice %arg8[%add3A_8, %dma_start3A_176] : memref<10112x128xf32, #tpu.memory_space<vmem_shared>> -> memref<88x128xf32, #tpu.memory_space<vmem_shared>>
      %dma_start3A_178 = arith.constant 0 : i32
      %dma_start3A_179 = tpu.memref_slice %arg8[%add3A_8, %dma_start3A_178] : memref<10112x128xf32, #tpu.memory_space<vmem_shared>> -> memref<88x128xf32, #tpu.memory_space<vmem_shared>>
      %dma_start3A_180 = arith.constant 0 : i32
      %dma_start3A_181 = arith.constant 0 : i32
      %dma_start3A_182 = tpu.memref_slice %arg7[%run_scoped3A, %dma_start3A_180, %dma_start3A_181] : memref<4x88x128xf32, #tpu.memory_space<vmem>> -> memref<1x88x128xf32, #tpu.memory_space<vmem>>
      %dma_start3A_183 = tpu.memref_squeeze %dma_start3A_182 : memref<1x88x128xf32, #tpu.memory_space<vmem>> -> memref<88x128xf32, #tpu.memory_space<vmem>>
      tpu.enqueue_dma source(%dma_start3A_183 : memref<88x128xf32, #tpu.memory_space<vmem>>) target(%dma_start3A_179 : memref<88x128xf32, #tpu.memory_space<vmem_shared>>) target_semaphore(%run_scoped3A_171 : memref<!tpu.dma_semaphore, #tpu.memory_space<semaphore_mem>>)
      %dma_wait3A = arith.constant 0 : i32
      %dma_wait3A_184 = arith.constant 0 : i32
      %dma_wait3A_185 = tpu.memref_slice %arg7[%run_scoped3A, %dma_wait3A, %dma_wait3A_184] : memref<4x88x128xf32, #tpu.memory_space<vmem>> -> memref<1x88x128xf32, #tpu.memory_space<vmem>>
      %dma_wait3A_186 = tpu.memref_squeeze %dma_wait3A_185 : memref<1x88x128xf32, #tpu.memory_space<vmem>> -> memref<88x128xf32, #tpu.memory_space<vmem>>
      %dma_wait3A_187 = arith.constant 0 : i32
      %dma_wait3A_188 = tpu.memref_slice %arg8[%add3A_8, %dma_wait3A_187] : memref<10112x128xf32, #tpu.memory_space<vmem_shared>> -> memref<88x128xf32, #tpu.memory_space<vmem_shared>>
      %dma_wait3A_189 = arith.constant 0 : i32
      %dma_wait3A_190 = tpu.memref_slice %arg8[%add3A_8, %dma_wait3A_189] : memref<10112x128xf32, #tpu.memory_space<vmem_shared>> -> memref<88x128xf32, #tpu.memory_space<vmem_shared>>
      %dma_wait3A_191 = arith.constant 0 : i32
      %dma_wait3A_192 = arith.constant 0 : i32
      %dma_wait3A_193 = tpu.memref_slice %arg7[%run_scoped3A, %dma_wait3A_191, %dma_wait3A_192] : memref<4x88x128xf32, #tpu.memory_space<vmem>> -> memref<1x88x128xf32, #tpu.memory_space<vmem>>
      %dma_wait3A_194 = tpu.memref_squeeze %dma_wait3A_193 : memref<1x88x128xf32, #tpu.memory_space<vmem>> -> memref<88x128xf32, #tpu.memory_space<vmem>>
      tpu.wait_dma2 semaphore(%run_scoped3A_171 : memref<!tpu.dma_semaphore, #tpu.memory_space<semaphore_mem>>) src(%dma_wait3A_194 : memref<88x128xf32, #tpu.memory_space<vmem>>) dst(%dma_wait3A_190 : memref<88x128xf32, #tpu.memory_space<vmem_shared>>)
      tpu.yield
    }) : () -> ()
    %mul3A_9 = arith.constant 632 : i32
    %mul3A_10 = arith.muli %arg1, %mul3A_9 : i32
    %add3A_11 = arith.constant 88 : i32
    %add3A_12 = arith.addi %mul3A_10, %add3A_11 : i32
    %run_scoped3A_13 = arith.constant 0 : i32
    "tpu.region"() ({
      %run_scoped3A_171 = tpu.sem_alloc : memref<!tpu.dma_semaphore, #tpu.memory_space<semaphore_mem>>
      %dma_start3A_172 = arith.constant 0 : i32
      %dma_start3A_173 = arith.constant 0 : i32
      %dma_start3A_174 = tpu.memref_slice %arg7[%run_scoped3A_13, %dma_start3A_172, %dma_start3A_173] : memref<4x88x128xf32, #tpu.memory_space<vmem>> -> memref<1x88x128xf32, #tpu.memory_space<vmem>>
      %dma_start3A_175 = tpu.memref_squeeze %dma_start3A_174 : memref<1x88x128xf32, #tpu.memory_space<vmem>> -> memref<88x128xf32, #tpu.memory_space<vmem>>
      %dma_start3A_176 = arith.constant 0 : i32
      %dma_start3A_177 = tpu.memref_slice %arg8[%add3A_12, %dma_start3A_176] : memref<10112x128xf32, #tpu.memory_space<vmem_shared>> -> memref<88x128xf32, #tpu.memory_space<vmem_shared>>
      %dma_start3A_178 = arith.constant 0 : i32
      %dma_start3A_179 = tpu.memref_slice %arg8[%add3A_12, %dma_start3A_178] : memref<10112x128xf32, #tpu.memory_space<vmem_shared>> -> memref<88x128xf32, #tpu.memory_space<vmem_shared>>
      %dma_start3A_180 = arith.constant 0 : i32
      %dma_start3A_181 = arith.constant 0 : i32
      %dma_start3A_182 = tpu.memref_slice %arg7[%run_scoped3A_13, %dma_start3A_180, %dma_start3A_181] : memref<4x88x128xf32, #tpu.memory_space<vmem>> -> memref<1x88x128xf32, #tpu.memory_space<vmem>>
      %dma_start3A_183 = tpu.memref_squeeze %dma_start3A_182 : memref<1x88x128xf32, #tpu.memory_space<vmem>> -> memref<88x128xf32, #tpu.memory_space<vmem>>
      tpu.enqueue_dma source(%dma_start3A_183 : memref<88x128xf32, #tpu.memory_space<vmem>>) target(%dma_start3A_179 : memref<88x128xf32, #tpu.memory_space<vmem_shared>>) target_semaphore(%run_scoped3A_171 : memref<!tpu.dma_semaphore, #tpu.memory_space<semaphore_mem>>)
      %dma_wait3A = arith.constant 0 : i32
      %dma_wait3A_184 = arith.constant 0 : i32
      %dma_wait3A_185 = tpu.memref_slice %arg7[%run_scoped3A_13, %dma_wait3A, %dma_wait3A_184] : memref<4x88x128xf32, #tpu.memory_space<vmem>> -> memref<1x88x128xf32, #tpu.memory_space<vmem>>
      %dma_wait3A_186 = tpu.memref_squeeze %dma_wait3A_185 : memref<1x88x128xf32, #tpu.memory_space<vmem>> -> memref<88x128xf32, #tpu.memory_space<vmem>>
      %dma_wait3A_187 = arith.constant 0 : i32
      %dma_wait3A_188 = tpu.memref_slice %arg8[%add3A_12, %dma_wait3A_187] : memref<10112x128xf32, #tpu.memory_space<vmem_shared>> -> memref<88x128xf32, #tpu.memory_space<vmem_shared>>
      %dma_wait3A_189 = arith.constant 0 : i32
      %dma_wait3A_190 = tpu.memref_slice %arg8[%add3A_12, %dma_wait3A_189] : memref<10112x128xf32, #tpu.memory_space<vmem_shared>> -> memref<88x128xf32, #tpu.memory_space<vmem_shared>>
      %dma_wait3A_191 = arith.constant 0 : i32
      %dma_wait3A_192 = arith.constant 0 : i32
      %dma_wait3A_193 = tpu.memref_slice %arg7[%run_scoped3A_13, %dma_wait3A_191, %dma_wait3A_192] : memref<4x88x128xf32, #tpu.memory_space<vmem>> -> memref<1x88x128xf32, #tpu.memory_space<vmem>>
      %dma_wait3A_194 = tpu.memref_squeeze %dma_wait3A_193 : memref<1x88x128xf32, #tpu.memory_space<vmem>> -> memref<88x128xf32, #tpu.memory_space<vmem>>
      tpu.wait_dma2 semaphore(%run_scoped3A_171 : memref<!tpu.dma_semaphore, #tpu.memory_space<semaphore_mem>>) src(%dma_wait3A_194 : memref<88x128xf32, #tpu.memory_space<vmem>>) dst(%dma_wait3A_190 : memref<88x128xf32, #tpu.memory_space<vmem_shared>>)
      tpu.yield
    }) : () -> ()
    %mul3A_14 = arith.constant 632 : i32
    %mul3A_15 = arith.muli %arg1, %mul3A_14 : i32
    %add3A_16 = arith.constant 176 : i32
    %add3A_17 = arith.addi %mul3A_15, %add3A_16 : i32
    %run_scoped3A_18 = arith.constant 0 : i32
    "tpu.region"() ({
      %run_scoped3A_171 = tpu.sem_alloc : memref<!tpu.dma_semaphore, #tpu.memory_space<semaphore_mem>>
      %dma_start3A_172 = arith.constant 0 : i32
      %dma_start3A_173 = arith.constant 0 : i32
      %dma_start3A_174 = tpu.memref_slice %arg7[%run_scoped3A_18, %dma_start3A_172, %dma_start3A_173] : memref<4x88x128xf32, #tpu.memory_space<vmem>> -> memref<1x88x128xf32, #tpu.memory_space<vmem>>
      %dma_start3A_175 = tpu.memref_squeeze %dma_start3A_174 : memref<1x88x128xf32, #tpu.memory_space<vmem>> -> memref<88x128xf32, #tpu.memory_space<vmem>>
      %dma_start3A_176 = arith.constant 0 : i32
      %dma_start3A_177 = tpu.memref_slice %arg8[%add3A_17, %dma_start3A_176] : memref<10112x128xf32, #tpu.memory_space<vmem_shared>> -> memref<88x128xf32, #tpu.memory_space<vmem_shared>>
      %dma_start3A_178 = arith.constant 0 : i32
      %dma_start3A_179 = tpu.memref_slice %arg8[%add3A_17, %dma_start3A_178] : memref<10112x128xf32, #tpu.memory_space<vmem_shared>> -> memref<88x128xf32, #tpu.memory_space<vmem_shared>>
      %dma_start3A_180 = arith.constant 0 : i32
      %dma_start3A_181 = arith.constant 0 : i32
      %dma_start3A_182 = tpu.memref_slice %arg7[%run_scoped3A_18, %dma_start3A_180, %dma_start3A_181] : memref<4x88x128xf32, #tpu.memory_space<vmem>> -> memref<1x88x128xf32, #tpu.memory_space<vmem>>
      %dma_start3A_183 = tpu.memref_squeeze %dma_start3A_182 : memref<1x88x128xf32, #tpu.memory_space<vmem>> -> memref<88x128xf32, #tpu.memory_space<vmem>>
      tpu.enqueue_dma source(%dma_start3A_183 : memref<88x128xf32, #tpu.memory_space<vmem>>) target(%dma_start3A_179 : memref<88x128xf32, #tpu.memory_space<vmem_shared>>) target_semaphore(%run_scoped3A_171 : memref<!tpu.dma_semaphore, #tpu.memory_space<semaphore_mem>>)
      %dma_wait3A = arith.constant 0 : i32
      %dma_wait3A_184 = arith.constant 0 : i32
      %dma_wait3A_185 = tpu.memref_slice %arg7[%run_scoped3A_18, %dma_wait3A, %dma_wait3A_184] : memref<4x88x128xf32, #tpu.memory_space<vmem>> -> memref<1x88x128xf32, #tpu.memory_space<vmem>>
      %dma_wait3A_186 = tpu.memref_squeeze %dma_wait3A_185 : memref<1x88x128xf32, #tpu.memory_space<vmem>> -> memref<88x128xf32, #tpu.memory_space<vmem>>
      %dma_wait3A_187 = arith.constant 0 : i32
      %dma_wait3A_188 = tpu.memref_slice %arg8[%add3A_17, %dma_wait3A_187] : memref<10112x128xf32, #tpu.memory_space<vmem_shared>> -> memref<88x128xf32, #tpu.memory_space<vmem_shared>>
      %dma_wait3A_189 = arith.constant 0 : i32
      %dma_wait3A_190 = tpu.memref_slice %arg8[%add3A_17, %dma_wait3A_189] : memref<10112x128xf32, #tpu.memory_space<vmem_shared>> -> memref<88x128xf32, #tpu.memory_space<vmem_shared>>
      %dma_wait3A_191 = arith.constant 0 : i32
      %dma_wait3A_192 = arith.constant 0 : i32
      %dma_wait3A_193 = tpu.memref_slice %arg7[%run_scoped3A_18, %dma_wait3A_191, %dma_wait3A_192] : memref<4x88x128xf32, #tpu.memory_space<vmem>> -> memref<1x88x128xf32, #tpu.memory_space<vmem>>
      %dma_wait3A_194 = tpu.memref_squeeze %dma_wait3A_193 : memref<1x88x128xf32, #tpu.memory_space<vmem>> -> memref<88x128xf32, #tpu.memory_space<vmem>>
      tpu.wait_dma2 semaphore(%run_scoped3A_171 : memref<!tpu.dma_semaphore, #tpu.memory_space<semaphore_mem>>) src(%dma_wait3A_194 : memref<88x128xf32, #tpu.memory_space<vmem>>) dst(%dma_wait3A_190 : memref<88x128xf32, #tpu.memory_space<vmem_shared>>)
      tpu.yield
    }) : () -> ()
    %mul3A_19 = arith.constant 632 : i32
    %mul3A_20 = arith.muli %arg1, %mul3A_19 : i32
    %add3A_21 = arith.constant 264 : i32
    %add3A_22 = arith.addi %mul3A_20, %add3A_21 : i32
    %run_scoped3A_23 = arith.constant 0 : i32
    "tpu.region"() ({
      %run_scoped3A_171 = tpu.sem_alloc : memref<!tpu.dma_semaphore, #tpu.memory_space<semaphore_mem>>
      %dma_start3A_172 = arith.constant 0 : i32
      %dma_start3A_173 = arith.constant 0 : i32
      %dma_start3A_174 = tpu.memref_slice %arg7[%run_scoped3A_23, %dma_start3A_172, %dma_start3A_173] : memref<4x88x128xf32, #tpu.memory_space<vmem>> -> memref<1x88x128xf32, #tpu.memory_space<vmem>>
      %dma_start3A_175 = tpu.memref_squeeze %dma_start3A_174 : memref<1x88x128xf32, #tpu.memory_space<vmem>> -> memref<88x128xf32, #tpu.memory_space<vmem>>
      %dma_start3A_176 = arith.constant 0 : i32
      %dma_start3A_177 = tpu.memref_slice %arg8[%add3A_22, %dma_start3A_176] : memref<10112x128xf32, #tpu.memory_space<vmem_shared>> -> memref<88x128xf32, #tpu.memory_space<vmem_shared>>
      %dma_start3A_178 = arith.constant 0 : i32
      %dma_start3A_179 = tpu.memref_slice %arg8[%add3A_22, %dma_start3A_178] : memref<10112x128xf32, #tpu.memory_space<vmem_shared>> -> memref<88x128xf32, #tpu.memory_space<vmem_shared>>
      %dma_start3A_180 = arith.constant 0 : i32
      %dma_start3A_181 = arith.constant 0 : i32
      %dma_start3A_182 = tpu.memref_slice %arg7[%run_scoped3A_23, %dma_start3A_180, %dma_start3A_181] : memref<4x88x128xf32, #tpu.memory_space<vmem>> -> memref<1x88x128xf32, #tpu.memory_space<vmem>>
      %dma_start3A_183 = tpu.memref_squeeze %dma_start3A_182 : memref<1x88x128xf32, #tpu.memory_space<vmem>> -> memref<88x128xf32, #tpu.memory_space<vmem>>
      tpu.enqueue_dma source(%dma_start3A_183 : memref<88x128xf32, #tpu.memory_space<vmem>>) target(%dma_start3A_179 : memref<88x128xf32, #tpu.memory_space<vmem_shared>>) target_semaphore(%run_scoped3A_171 : memref<!tpu.dma_semaphore, #tpu.memory_space<semaphore_mem>>)
      %dma_wait3A = arith.constant 0 : i32
      %dma_wait3A_184 = arith.constant 0 : i32
      %dma_wait3A_185 = tpu.memref_slice %arg7[%run_scoped3A_23, %dma_wait3A, %dma_wait3A_184] : memref<4x88x128xf32, #tpu.memory_space<vmem>> -> memref<1x88x128xf32, #tpu.memory_space<vmem>>
      %dma_wait3A_186 = tpu.memref_squeeze %dma_wait3A_185 : memref<1x88x128xf32, #tpu.memory_space<vmem>> -> memref<88x128xf32, #tpu.memory_space<vmem>>
      %dma_wait3A_187 = arith.constant 0 : i32
      %dma_wait3A_188 = tpu.memref_slice %arg8[%add3A_22, %dma_wait3A_187] : memref<10112x128xf32, #tpu.memory_space<vmem_shared>> -> memref<88x128xf32, #tpu.memory_space<vmem_shared>>
      %dma_wait3A_189 = arith.constant 0 : i32
      %dma_wait3A_190 = tpu.memref_slice %arg8[%add3A_22, %dma_wait3A_189] : memref<10112x128xf32, #tpu.memory_space<vmem_shared>> -> memref<88x128xf32, #tpu.memory_space<vmem_shared>>
      %dma_wait3A_191 = arith.constant 0 : i32
      %dma_wait3A_192 = arith.constant 0 : i32
      %dma_wait3A_193 = tpu.memref_slice %arg7[%run_scoped3A_23, %dma_wait3A_191, %dma_wait3A_192] : memref<4x88x128xf32, #tpu.memory_space<vmem>> -> memref<1x88x128xf32, #tpu.memory_space<vmem>>
      %dma_wait3A_194 = tpu.memref_squeeze %dma_wait3A_193 : memref<1x88x128xf32, #tpu.memory_space<vmem>> -> memref<88x128xf32, #tpu.memory_space<vmem>>
      tpu.wait_dma2 semaphore(%run_scoped3A_171 : memref<!tpu.dma_semaphore, #tpu.memory_space<semaphore_mem>>) src(%dma_wait3A_194 : memref<88x128xf32, #tpu.memory_space<vmem>>) dst(%dma_wait3A_190 : memref<88x128xf32, #tpu.memory_space<vmem_shared>>)
      tpu.yield
    }) : () -> ()
    %mul3A_24 = arith.constant 632 : i32
    %mul3A_25 = arith.muli %arg1, %mul3A_24 : i32
    %add3A_26 = arith.constant 352 : i32
    %add3A_27 = arith.addi %mul3A_25, %add3A_26 : i32
    %run_scoped3A_28 = arith.constant 0 : i32
    "tpu.region"() ({
      %run_scoped3A_171 = tpu.sem_alloc : memref<!tpu.dma_semaphore, #tpu.memory_space<semaphore_mem>>
      %dma_start3A_172 = arith.constant 0 : i32
      %dma_start3A_173 = arith.constant 0 : i32
      %dma_start3A_174 = tpu.memref_slice %arg7[%run_scoped3A_28, %dma_start3A_172, %dma_start3A_173] : memref<4x88x128xf32, #tpu.memory_space<vmem>> -> memref<1x88x128xf32, #tpu.memory_space<vmem>>
      %dma_start3A_175 = tpu.memref_squeeze %dma_start3A_174 : memref<1x88x128xf32, #tpu.memory_space<vmem>> -> memref<88x128xf32, #tpu.memory_space<vmem>>
      %dma_start3A_176 = arith.constant 0 : i32
      %dma_start3A_177 = tpu.memref_slice %arg8[%add3A_27, %dma_start3A_176] : memref<10112x128xf32, #tpu.memory_space<vmem_shared>> -> memref<88x128xf32, #tpu.memory_space<vmem_shared>>
      %dma_start3A_178 = arith.constant 0 : i32
      %dma_start3A_179 = tpu.memref_slice %arg8[%add3A_27, %dma_start3A_178] : memref<10112x128xf32, #tpu.memory_space<vmem_shared>> -> memref<88x128xf32, #tpu.memory_space<vmem_shared>>
      %dma_start3A_180 = arith.constant 0 : i32
      %dma_start3A_181 = arith.constant 0 : i32
      %dma_start3A_182 = tpu.memref_slice %arg7[%run_scoped3A_28, %dma_start3A_180, %dma_start3A_181] : memref<4x88x128xf32, #tpu.memory_space<vmem>> -> memref<1x88x128xf32, #tpu.memory_space<vmem>>
      %dma_start3A_183 = tpu.memref_squeeze %dma_start3A_182 : memref<1x88x128xf32, #tpu.memory_space<vmem>> -> memref<88x128xf32, #tpu.memory_space<vmem>>
      tpu.enqueue_dma source(%dma_start3A_183 : memref<88x128xf32, #tpu.memory_space<vmem>>) target(%dma_start3A_179 : memref<88x128xf32, #tpu.memory_space<vmem_shared>>) target_semaphore(%run_scoped3A_171 : memref<!tpu.dma_semaphore, #tpu.memory_space<semaphore_mem>>)
      %dma_wait3A = arith.constant 0 : i32
      %dma_wait3A_184 = arith.constant 0 : i32
      %dma_wait3A_185 = tpu.memref_slice %arg7[%run_scoped3A_28, %dma_wait3A, %dma_wait3A_184] : memref<4x88x128xf32, #tpu.memory_space<vmem>> -> memref<1x88x128xf32, #tpu.memory_space<vmem>>
      %dma_wait3A_186 = tpu.memref_squeeze %dma_wait3A_185 : memref<1x88x128xf32, #tpu.memory_space<vmem>> -> memref<88x128xf32, #tpu.memory_space<vmem>>
      %dma_wait3A_187 = arith.constant 0 : i32
      %dma_wait3A_188 = tpu.memref_slice %arg8[%add3A_27, %dma_wait3A_187] : memref<10112x128xf32, #tpu.memory_space<vmem_shared>> -> memref<88x128xf32, #tpu.memory_space<vmem_shared>>
      %dma_wait3A_189 = arith.constant 0 : i32
      %dma_wait3A_190 = tpu.memref_slice %arg8[%add3A_27, %dma_wait3A_189] : memref<10112x128xf32, #tpu.memory_space<vmem_shared>> -> memref<88x128xf32, #tpu.memory_space<vmem_shared>>
      %dma_wait3A_191 = arith.constant 0 : i32
      %dma_wait3A_192 = arith.constant 0 : i32
      %dma_wait3A_193 = tpu.memref_slice %arg7[%run_scoped3A_28, %dma_wait3A_191, %dma_wait3A_192] : memref<4x88x128xf32, #tpu.memory_space<vmem>> -> memref<1x88x128xf32, #tpu.memory_space<vmem>>
      %dma_wait3A_194 = tpu.memref_squeeze %dma_wait3A_193 : memref<1x88x128xf32, #tpu.memory_space<vmem>> -> memref<88x128xf32, #tpu.memory_space<vmem>>
      tpu.wait_dma2 semaphore(%run_scoped3A_171 : memref<!tpu.dma_semaphore, #tpu.memory_space<semaphore_mem>>) src(%dma_wait3A_194 : memref<88x128xf32, #tpu.memory_space<vmem>>) dst(%dma_wait3A_190 : memref<88x128xf32, #tpu.memory_space<vmem_shared>>)
      tpu.yield
    }) : () -> ()
    %mul3A_29 = arith.constant 632 : i32
    %mul3A_30 = arith.muli %arg1, %mul3A_29 : i32
    %add3A_31 = arith.constant 440 : i32
    %add3A_32 = arith.addi %mul3A_30, %add3A_31 : i32
    %run_scoped3A_33 = arith.constant 0 : i32
    "tpu.region"() ({
      %run_scoped3A_171 = tpu.sem_alloc : memref<!tpu.dma_semaphore, #tpu.memory_space<semaphore_mem>>
      %dma_start3A_172 = arith.constant 0 : i32
      %dma_start3A_173 = arith.constant 0 : i32
      %dma_start3A_174 = tpu.memref_slice %arg7[%run_scoped3A_33, %dma_start3A_172, %dma_start3A_173] : memref<4x88x128xf32, #tpu.memory_space<vmem>> -> memref<1x88x128xf32, #tpu.memory_space<vmem>>
      %dma_start3A_175 = tpu.memref_squeeze %dma_start3A_174 : memref<1x88x128xf32, #tpu.memory_space<vmem>> -> memref<88x128xf32, #tpu.memory_space<vmem>>
      %dma_start3A_176 = arith.constant 0 : i32
      %dma_start3A_177 = tpu.memref_slice %arg8[%add3A_32, %dma_start3A_176] : memref<10112x128xf32, #tpu.memory_space<vmem_shared>> -> memref<88x128xf32, #tpu.memory_space<vmem_shared>>
      %dma_start3A_178 = arith.constant 0 : i32
      %dma_start3A_179 = tpu.memref_slice %arg8[%add3A_32, %dma_start3A_178] : memref<10112x128xf32, #tpu.memory_space<vmem_shared>> -> memref<88x128xf32, #tpu.memory_space<vmem_shared>>
      %dma_start3A_180 = arith.constant 0 : i32
      %dma_start3A_181 = arith.constant 0 : i32
      %dma_start3A_182 = tpu.memref_slice %arg7[%run_scoped3A_33, %dma_start3A_180, %dma_start3A_181] : memref<4x88x128xf32, #tpu.memory_space<vmem>> -> memref<1x88x128xf32, #tpu.memory_space<vmem>>
      %dma_start3A_183 = tpu.memref_squeeze %dma_start3A_182 : memref<1x88x128xf32, #tpu.memory_space<vmem>> -> memref<88x128xf32, #tpu.memory_space<vmem>>
      tpu.enqueue_dma source(%dma_start3A_183 : memref<88x128xf32, #tpu.memory_space<vmem>>) target(%dma_start3A_179 : memref<88x128xf32, #tpu.memory_space<vmem_shared>>) target_semaphore(%run_scoped3A_171 : memref<!tpu.dma_semaphore, #tpu.memory_space<semaphore_mem>>)
      %dma_wait3A = arith.constant 0 : i32
      %dma_wait3A_184 = arith.constant 0 : i32
      %dma_wait3A_185 = tpu.memref_slice %arg7[%run_scoped3A_33, %dma_wait3A, %dma_wait3A_184] : memref<4x88x128xf32, #tpu.memory_space<vmem>> -> memref<1x88x128xf32, #tpu.memory_space<vmem>>
      %dma_wait3A_186 = tpu.memref_squeeze %dma_wait3A_185 : memref<1x88x128xf32, #tpu.memory_space<vmem>> -> memref<88x128xf32, #tpu.memory_space<vmem>>
      %dma_wait3A_187 = arith.constant 0 : i32
      %dma_wait3A_188 = tpu.memref_slice %arg8[%add3A_32, %dma_wait3A_187] : memref<10112x128xf32, #tpu.memory_space<vmem_shared>> -> memref<88x128xf32, #tpu.memory_space<vmem_shared>>
      %dma_wait3A_189 = arith.constant 0 : i32
      %dma_wait3A_190 = tpu.memref_slice %arg8[%add3A_32, %dma_wait3A_189] : memref<10112x128xf32, #tpu.memory_space<vmem_shared>> -> memref<88x128xf32, #tpu.memory_space<vmem_shared>>
      %dma_wait3A_191 = arith.constant 0 : i32
      %dma_wait3A_192 = arith.constant 0 : i32
      %dma_wait3A_193 = tpu.memref_slice %arg7[%run_scoped3A_33, %dma_wait3A_191, %dma_wait3A_192] : memref<4x88x128xf32, #tpu.memory_space<vmem>> -> memref<1x88x128xf32, #tpu.memory_space<vmem>>
      %dma_wait3A_194 = tpu.memref_squeeze %dma_wait3A_193 : memref<1x88x128xf32, #tpu.memory_space<vmem>> -> memref<88x128xf32, #tpu.memory_space<vmem>>
      tpu.wait_dma2 semaphore(%run_scoped3A_171 : memref<!tpu.dma_semaphore, #tpu.memory_space<semaphore_mem>>) src(%dma_wait3A_194 : memref<88x128xf32, #tpu.memory_space<vmem>>) dst(%dma_wait3A_190 : memref<88x128xf32, #tpu.memory_space<vmem_shared>>)
      tpu.yield
    }) : () -> ()
    %mul3A_34 = arith.constant 632 : i32
    %mul3A_35 = arith.muli %arg1, %mul3A_34 : i32
    %add3A_36 = arith.constant 528 : i32
    %add3A_37 = arith.addi %mul3A_35, %add3A_36 : i32
    %run_scoped3A_38 = arith.constant 0 : i32
    "tpu.region"() ({
      %run_scoped3A_171 = tpu.sem_alloc : memref<!tpu.dma_semaphore, #tpu.memory_space<semaphore_mem>>
      %dma_start3A_172 = arith.constant 0 : i32
      %dma_start3A_173 = arith.constant 0 : i32
      %dma_start3A_174 = tpu.memref_slice %arg7[%run_scoped3A_38, %dma_start3A_172, %dma_start3A_173] : memref<4x88x128xf32, #tpu.memory_space<vmem>> -> memref<1x88x128xf32, #tpu.memory_space<vmem>>
      %dma_start3A_175 = tpu.memref_squeeze %dma_start3A_174 : memref<1x88x128xf32, #tpu.memory_space<vmem>> -> memref<88x128xf32, #tpu.memory_space<vmem>>
      %dma_start3A_176 = arith.constant 0 : i32
      %dma_start3A_177 = tpu.memref_slice %arg8[%add3A_37, %dma_start3A_176] : memref<10112x128xf32, #tpu.memory_space<vmem_shared>> -> memref<88x128xf32, #tpu.memory_space<vmem_shared>>
      %dma_start3A_178 = arith.constant 0 : i32
      %dma_start3A_179 = tpu.memref_slice %arg8[%add3A_37, %dma_start3A_178] : memref<10112x128xf32, #tpu.memory_space<vmem_shared>> -> memref<88x128xf32, #tpu.memory_space<vmem_shared>>
      %dma_start3A_180 = arith.constant 0 : i32
      %dma_start3A_181 = arith.constant 0 : i32
      %dma_start3A_182 = tpu.memref_slice %arg7[%run_scoped3A_38, %dma_start3A_180, %dma_start3A_181] : memref<4x88x128xf32, #tpu.memory_space<vmem>> -> memref<1x88x128xf32, #tpu.memory_space<vmem>>
      %dma_start3A_183 = tpu.memref_squeeze %dma_start3A_182 : memref<1x88x128xf32, #tpu.memory_space<vmem>> -> memref<88x128xf32, #tpu.memory_space<vmem>>
      tpu.enqueue_dma source(%dma_start3A_183 : memref<88x128xf32, #tpu.memory_space<vmem>>) target(%dma_start3A_179 : memref<88x128xf32, #tpu.memory_space<vmem_shared>>) target_semaphore(%run_scoped3A_171 : memref<!tpu.dma_semaphore, #tpu.memory_space<semaphore_mem>>)
      %dma_wait3A = arith.constant 0 : i32
      %dma_wait3A_184 = arith.constant 0 : i32
      %dma_wait3A_185 = tpu.memref_slice %arg7[%run_scoped3A_38, %dma_wait3A, %dma_wait3A_184] : memref<4x88x128xf32, #tpu.memory_space<vmem>> -> memref<1x88x128xf32, #tpu.memory_space<vmem>>
      %dma_wait3A_186 = tpu.memref_squeeze %dma_wait3A_185 : memref<1x88x128xf32, #tpu.memory_space<vmem>> -> memref<88x128xf32, #tpu.memory_space<vmem>>
      %dma_wait3A_187 = arith.constant 0 : i32
      %dma_wait3A_188 = tpu.memref_slice %arg8[%add3A_37, %dma_wait3A_187] : memref<10112x128xf32, #tpu.memory_space<vmem_shared>> -> memref<88x128xf32, #tpu.memory_space<vmem_shared>>
      %dma_wait3A_189 = arith.constant 0 : i32
      %dma_wait3A_190 = tpu.memref_slice %arg8[%add3A_37, %dma_wait3A_189] : memref<10112x128xf32, #tpu.memory_space<vmem_shared>> -> memref<88x128xf32, #tpu.memory_space<vmem_shared>>
      %dma_wait3A_191 = arith.constant 0 : i32
      %dma_wait3A_192 = arith.constant 0 : i32
      %dma_wait3A_193 = tpu.memref_slice %arg7[%run_scoped3A_38, %dma_wait3A_191, %dma_wait3A_192] : memref<4x88x128xf32, #tpu.memory_space<vmem>> -> memref<1x88x128xf32, #tpu.memory_space<vmem>>
      %dma_wait3A_194 = tpu.memref_squeeze %dma_wait3A_193 : memref<1x88x128xf32, #tpu.memory_space<vmem>> -> memref<88x128xf32, #tpu.memory_space<vmem>>
      tpu.wait_dma2 semaphore(%run_scoped3A_171 : memref<!tpu.dma_semaphore, #tpu.memory_space<semaphore_mem>>) src(%dma_wait3A_194 : memref<88x128xf32, #tpu.memory_space<vmem>>) dst(%dma_wait3A_190 : memref<88x128xf32, #tpu.memory_space<vmem_shared>>)
      tpu.yield
    }) : () -> ()
    %mul3A_39 = arith.constant 632 : i32
    %mul3A_40 = arith.muli %arg1, %mul3A_39 : i32
    %add3A_41 = arith.constant 616 : i32
    %add3A_42 = arith.addi %mul3A_40, %add3A_41 : i32
    %run_scoped3A_43 = arith.constant 0 : i32
    "tpu.region"() ({
      %run_scoped3A_171 = tpu.sem_alloc : memref<!tpu.dma_semaphore, #tpu.memory_space<semaphore_mem>>
      %dma_start3A_172 = arith.constant 0 : i32
      %dma_start3A_173 = arith.constant 0 : i32
      %dma_start3A_174 = tpu.memref_slice %arg7[%run_scoped3A_43, %dma_start3A_172, %dma_start3A_173] : memref<4x88x128xf32, #tpu.memory_space<vmem>> -> memref<1x16x128xf32, #tpu.memory_space<vmem>>
      %dma_start3A_175 = tpu.memref_squeeze %dma_start3A_174 : memref<1x16x128xf32, #tpu.memory_space<vmem>> -> memref<16x128xf32, #tpu.memory_space<vmem>>
      %dma_start3A_176 = arith.constant 0 : i32
      %dma_start3A_177 = tpu.memref_slice %arg8[%add3A_42, %dma_start3A_176] : memref<10112x128xf32, #tpu.memory_space<vmem_shared>> -> memref<16x128xf32, #tpu.memory_space<vmem_shared>>
      %dma_start3A_178 = arith.constant 0 : i32
      %dma_start3A_179 = tpu.memref_slice %arg8[%add3A_42, %dma_start3A_178] : memref<10112x128xf32, #tpu.memory_space<vmem_shared>> -> memref<16x128xf32, #tpu.memory_space<vmem_shared>>
      %dma_start3A_180 = arith.constant 0 : i32
      %dma_start3A_181 = arith.constant 0 : i32
      %dma_start3A_182 = tpu.memref_slice %arg7[%run_scoped3A_43, %dma_start3A_180, %dma_start3A_181] : memref<4x88x128xf32, #tpu.memory_space<vmem>> -> memref<1x16x128xf32, #tpu.memory_space<vmem>>
      %dma_start3A_183 = tpu.memref_squeeze %dma_start3A_182 : memref<1x16x128xf32, #tpu.memory_space<vmem>> -> memref<16x128xf32, #tpu.memory_space<vmem>>
      tpu.enqueue_dma source(%dma_start3A_183 : memref<16x128xf32, #tpu.memory_space<vmem>>) target(%dma_start3A_179 : memref<16x128xf32, #tpu.memory_space<vmem_shared>>) target_semaphore(%run_scoped3A_171 : memref<!tpu.dma_semaphore, #tpu.memory_space<semaphore_mem>>)
      %dma_wait3A = arith.constant 0 : i32
      %dma_wait3A_184 = arith.constant 0 : i32
      %dma_wait3A_185 = tpu.memref_slice %arg7[%run_scoped3A_43, %dma_wait3A, %dma_wait3A_184] : memref<4x88x128xf32, #tpu.memory_space<vmem>> -> memref<1x16x128xf32, #tpu.memory_space<vmem>>
      %dma_wait3A_186 = tpu.memref_squeeze %dma_wait3A_185 : memref<1x16x128xf32, #tpu.memory_space<vmem>> -> memref<16x128xf32, #tpu.memory_space<vmem>>
      %dma_wait3A_187 = arith.constant 0 : i32
      %dma_wait3A_188 = tpu.memref_slice %arg8[%add3A_42, %dma_wait3A_187] : memref<10112x128xf32, #tpu.memory_space<vmem_shared>> -> memref<16x128xf32, #tpu.memory_space<vmem_shared>>
      %dma_wait3A_189 = arith.constant 0 : i32
      %dma_wait3A_190 = tpu.memref_slice %arg8[%add3A_42, %dma_wait3A_189] : memref<10112x128xf32, #tpu.memory_space<vmem_shared>> -> memref<16x128xf32, #tpu.memory_space<vmem_shared>>
      %dma_wait3A_191 = arith.constant 0 : i32
      %dma_wait3A_192 = arith.constant 0 : i32
      %dma_wait3A_193 = tpu.memref_slice %arg7[%run_scoped3A_43, %dma_wait3A_191, %dma_wait3A_192] : memref<4x88x128xf32, #tpu.memory_space<vmem>> -> memref<1x16x128xf32, #tpu.memory_space<vmem>>
      %dma_wait3A_194 = tpu.memref_squeeze %dma_wait3A_193 : memref<1x16x128xf32, #tpu.memory_space<vmem>> -> memref<16x128xf32, #tpu.memory_space<vmem>>
      tpu.wait_dma2 semaphore(%run_scoped3A_171 : memref<!tpu.dma_semaphore, #tpu.memory_space<semaphore_mem>>) src(%dma_wait3A_194 : memref<16x128xf32, #tpu.memory_space<vmem>>) dst(%dma_wait3A_190 : memref<16x128xf32, #tpu.memory_space<vmem_shared>>)
      tpu.yield
    }) : () -> ()
    %barrier3A = arith.constant 0 : index
    tpu.barrier barrier_id(%barrier3A)
    %run_scoped3A_44 = arith.constant 0 : i32
    %run_scoped3A_45 = arith.constant 0 : i32
    %run_scoped3A_46 = arith.constant 0 : i32
    "tpu.region"() ({
      %run_scoped3A_171 = tpu.sem_alloc : memref<!tpu.dma_semaphore, #tpu.memory_space<semaphore_mem>>
      %dma_start3A_172 = arith.constant 0 : i32
      %dma_start3A_173 = arith.constant 0 : i32
      %dma_start3A_174 = tpu.memref_slice %arg6[%run_scoped3A_45, %run_scoped3A_46, %dma_start3A_172, %dma_start3A_173] : memref<2x2x4x88xi32, #tpu.memory_space<vmem>> -> memref<1x1x4x88xi32, #tpu.memory_space<vmem>>
      %dma_start3A_175 = tpu.memref_squeeze %dma_start3A_174 : memref<1x1x4x88xi32, #tpu.memory_space<vmem>> -> memref<4x88xi32, #tpu.memory_space<vmem>>
      %dma_start3A_176 = arith.constant 0 : i32
      %dma_start3A_177 = arith.constant 0 : i32
      %dma_start3A_178 = tpu.memref_slice %arg3[%add3A, %run_scoped3A_44, %dma_start3A_176, %dma_start3A_177] : memref<16x57x4x88xi32, #tpu.memory_space<hbm>> -> memref<1x1x4x88xi32, #tpu.memory_space<hbm>>
      %dma_start3A_179 = tpu.memref_squeeze %dma_start3A_178 : memref<1x1x4x88xi32, #tpu.memory_space<hbm>> -> memref<4x88xi32, #tpu.memory_space<hbm>>
      %dma_start3A_180 = arith.constant 0 : i32
      %dma_start3A_181 = arith.constant 0 : i32
      %dma_start3A_182 = tpu.memref_slice %arg6[%run_scoped3A_45, %run_scoped3A_46, %dma_start3A_180, %dma_start3A_181] : memref<2x2x4x88xi32, #tpu.memory_space<vmem>> -> memref<1x1x4x88xi32, #tpu.memory_space<vmem>>
      %dma_start3A_183 = tpu.memref_squeeze %dma_start3A_182 : memref<1x1x4x88xi32, #tpu.memory_space<vmem>> -> memref<4x88xi32, #tpu.memory_space<vmem>>
      %dma_start3A_184 = arith.constant 0 : i32
      %dma_start3A_185 = arith.constant 0 : i32
      %dma_start3A_186 = tpu.memref_slice %arg3[%add3A, %run_scoped3A_44, %dma_start3A_184, %dma_start3A_185] : memref<16x57x4x88xi32, #tpu.memory_space<hbm>> -> memref<1x1x4x88xi32, #tpu.memory_space<hbm>>
      %dma_start3A_187 = tpu.memref_squeeze %dma_start3A_186 : memref<1x1x4x88xi32, #tpu.memory_space<hbm>> -> memref<4x88xi32, #tpu.memory_space<hbm>>
      tpu.enqueue_dma source(%dma_start3A_187 : memref<4x88xi32, #tpu.memory_space<hbm>>) target(%dma_start3A_183 : memref<4x88xi32, #tpu.memory_space<vmem>>) target_semaphore(%run_scoped3A_171 : memref<!tpu.dma_semaphore, #tpu.memory_space<semaphore_mem>>)
      %dma_wait3A = arith.constant 0 : i32
      %dma_wait3A_188 = arith.constant 0 : i32
      %dma_wait3A_189 = tpu.memref_slice %arg6[%run_scoped3A_45, %run_scoped3A_46, %dma_wait3A, %dma_wait3A_188] : memref<2x2x4x88xi32, #tpu.memory_space<vmem>> -> memref<1x1x4x88xi32, #tpu.memory_space<vmem>>
      %dma_wait3A_190 = tpu.memref_squeeze %dma_wait3A_189 : memref<1x1x4x88xi32, #tpu.memory_space<vmem>> -> memref<4x88xi32, #tpu.memory_space<vmem>>
      %dma_wait3A_191 = arith.constant 0 : i32
      %dma_wait3A_192 = arith.constant 0 : i32
      %dma_wait3A_193 = tpu.memref_slice %arg3[%add3A, %run_scoped3A_44, %dma_wait3A_191, %dma_wait3A_192] : memref<16x57x4x88xi32, #tpu.memory_space<hbm>> -> memref<1x1x4x88xi32, #tpu.memory_space<hbm>>
      %dma_wait3A_194 = tpu.memref_squeeze %dma_wait3A_193 : memref<1x1x4x88xi32, #tpu.memory_space<hbm>> -> memref<4x88xi32, #tpu.memory_space<hbm>>
      %dma_wait3A_195 = arith.constant 0 : i32
      %dma_wait3A_196 = arith.constant 0 : i32
      %dma_wait3A_197 = tpu.memref_slice %arg6[%run_scoped3A_45, %run_scoped3A_46, %dma_wait3A_195, %dma_wait3A_196] : memref<2x2x4x88xi32, #tpu.memory_space<vmem>> -> memref<1x1x4x88xi32, #tpu.memory_space<vmem>>
      %dma_wait3A_198 = tpu.memref_squeeze %dma_wait3A_197 : memref<1x1x4x88xi32, #tpu.memory_space<vmem>> -> memref<4x88xi32, #tpu.memory_space<vmem>>
      %dma_wait3A_199 = arith.constant 0 : i32
      %dma_wait3A_200 = arith.constant 0 : i32
      %dma_wait3A_201 = tpu.memref_slice %arg3[%add3A, %run_scoped3A_44, %dma_wait3A_199, %dma_wait3A_200] : memref<16x57x4x88xi32, #tpu.memory_space<hbm>> -> memref<1x1x4x88xi32, #tpu.memory_space<hbm>>
      %dma_wait3A_202 = tpu.memref_squeeze %dma_wait3A_201 : memref<1x1x4x88xi32, #tpu.memory_space<hbm>> -> memref<4x88xi32, #tpu.memory_space<hbm>>
      tpu.wait_dma2 semaphore(%run_scoped3A_171 : memref<!tpu.dma_semaphore, #tpu.memory_space<semaphore_mem>>) src(%dma_wait3A_202 : memref<4x88xi32, #tpu.memory_space<hbm>>) dst(%dma_wait3A_198 : memref<4x88xi32, #tpu.memory_space<vmem>>)
      tpu.yield
    }) : () -> ()
    %run_scoped3A_47 = arith.constant 0 : i32
    %run_scoped3A_48 = arith.constant 0 : i32
    %run_scoped3A_49 = arith.constant 1 : i32
    "tpu.region"() ({
      %run_scoped3A_171 = tpu.sem_alloc : memref<!tpu.dma_semaphore, #tpu.memory_space<semaphore_mem>>
      %dma_start3A_172 = arith.constant 0 : i32
      %dma_start3A_173 = arith.constant 0 : i32
      %dma_start3A_174 = tpu.memref_slice %arg6[%run_scoped3A_48, %run_scoped3A_49, %dma_start3A_172, %dma_start3A_173] : memref<2x2x4x88xi32, #tpu.memory_space<vmem>> -> memref<1x1x4x88xi32, #tpu.memory_space<vmem>>
      %dma_start3A_175 = tpu.memref_squeeze %dma_start3A_174 : memref<1x1x4x88xi32, #tpu.memory_space<vmem>> -> memref<4x88xi32, #tpu.memory_space<vmem>>
      %dma_start3A_176 = arith.constant 0 : i32
      %dma_start3A_177 = arith.constant 0 : i32
      %dma_start3A_178 = tpu.memref_slice %arg4[%add3A, %run_scoped3A_47, %dma_start3A_176, %dma_start3A_177] : memref<16x57x4x88xi32, #tpu.memory_space<hbm>> -> memref<1x1x4x88xi32, #tpu.memory_space<hbm>>
      %dma_start3A_179 = tpu.memref_squeeze %dma_start3A_178 : memref<1x1x4x88xi32, #tpu.memory_space<hbm>> -> memref<4x88xi32, #tpu.memory_space<hbm>>
      %dma_start3A_180 = arith.constant 0 : i32
      %dma_start3A_181 = arith.constant 0 : i32
      %dma_start3A_182 = tpu.memref_slice %arg6[%run_scoped3A_48, %run_scoped3A_49, %dma_start3A_180, %dma_start3A_181] : memref<2x2x4x88xi32, #tpu.memory_space<vmem>> -> memref<1x1x4x88xi32, #tpu.memory_space<vmem>>
      %dma_start3A_183 = tpu.memref_squeeze %dma_start3A_182 : memref<1x1x4x88xi32, #tpu.memory_space<vmem>> -> memref<4x88xi32, #tpu.memory_space<vmem>>
      %dma_start3A_184 = arith.constant 0 : i32
      %dma_start3A_185 = arith.constant 0 : i32
      %dma_start3A_186 = tpu.memref_slice %arg4[%add3A, %run_scoped3A_47, %dma_start3A_184, %dma_start3A_185] : memref<16x57x4x88xi32, #tpu.memory_space<hbm>> -> memref<1x1x4x88xi32, #tpu.memory_space<hbm>>
      %dma_start3A_187 = tpu.memref_squeeze %dma_start3A_186 : memref<1x1x4x88xi32, #tpu.memory_space<hbm>> -> memref<4x88xi32, #tpu.memory_space<hbm>>
      tpu.enqueue_dma source(%dma_start3A_187 : memref<4x88xi32, #tpu.memory_space<hbm>>) target(%dma_start3A_183 : memref<4x88xi32, #tpu.memory_space<vmem>>) target_semaphore(%run_scoped3A_171 : memref<!tpu.dma_semaphore, #tpu.memory_space<semaphore_mem>>)
      %dma_wait3A = arith.constant 0 : i32
      %dma_wait3A_188 = arith.constant 0 : i32
      %dma_wait3A_189 = tpu.memref_slice %arg6[%run_scoped3A_48, %run_scoped3A_49, %dma_wait3A, %dma_wait3A_188] : memref<2x2x4x88xi32, #tpu.memory_space<vmem>> -> memref<1x1x4x88xi32, #tpu.memory_space<vmem>>
      %dma_wait3A_190 = tpu.memref_squeeze %dma_wait3A_189 : memref<1x1x4x88xi32, #tpu.memory_space<vmem>> -> memref<4x88xi32, #tpu.memory_space<vmem>>
      %dma_wait3A_191 = arith.constant 0 : i32
      %dma_wait3A_192 = arith.constant 0 : i32
      %dma_wait3A_193 = tpu.memref_slice %arg4[%add3A, %run_scoped3A_47, %dma_wait3A_191, %dma_wait3A_192] : memref<16x57x4x88xi32, #tpu.memory_space<hbm>> -> memref<1x1x4x88xi32, #tpu.memory_space<hbm>>
      %dma_wait3A_194 = tpu.memref_squeeze %dma_wait3A_193 : memref<1x1x4x88xi32, #tpu.memory_space<hbm>> -> memref<4x88xi32, #tpu.memory_space<hbm>>
      %dma_wait3A_195 = arith.constant 0 : i32
      %dma_wait3A_196 = arith.constant 0 : i32
      %dma_wait3A_197 = tpu.memref_slice %arg6[%run_scoped3A_48, %run_scoped3A_49, %dma_wait3A_195, %dma_wait3A_196] : memref<2x2x4x88xi32, #tpu.memory_space<vmem>> -> memref<1x1x4x88xi32, #tpu.memory_space<vmem>>
      %dma_wait3A_198 = tpu.memref_squeeze %dma_wait3A_197 : memref<1x1x4x88xi32, #tpu.memory_space<vmem>> -> memref<4x88xi32, #tpu.memory_space<vmem>>
      %dma_wait3A_199 = arith.constant 0 : i32
      %dma_wait3A_200 = arith.constant 0 : i32
      %dma_wait3A_201 = tpu.memref_slice %arg4[%add3A, %run_scoped3A_47, %dma_wait3A_199, %dma_wait3A_200] : memref<16x57x4x88xi32, #tpu.memory_space<hbm>> -> memref<1x1x4x88xi32, #tpu.memory_space<hbm>>
      %dma_wait3A_202 = tpu.memref_squeeze %dma_wait3A_201 : memref<1x1x4x88xi32, #tpu.memory_space<hbm>> -> memref<4x88xi32, #tpu.memory_space<hbm>>
      tpu.wait_dma2 semaphore(%run_scoped3A_171 : memref<!tpu.dma_semaphore, #tpu.memory_space<semaphore_mem>>) src(%dma_wait3A_202 : memref<4x88xi32, #tpu.memory_space<hbm>>) dst(%dma_wait3A_198 : memref<4x88xi32, #tpu.memory_space<vmem>>)
      tpu.yield
    }) : () -> ()
    %dma_start3A = arith.constant 0 : i32
    %dma_start3A_50 = arith.constant 0 : i32
    %dma_start3A_51 = arith.constant 0 : i32
    %dma_start3A_52 = arith.constant 0 : i32
    %dma_start3A_53 = arith.constant 0 : i32
    %dma_start3A_54 = arith.constant 0 : i32
    %dma_start3A_55 = arith.constant 0 : i32
    %dma_start3A_56 = tpu.memref_slice %arg7[%dma_start3A_52, %dma_start3A_54, %dma_start3A_55] : memref<4x88x128xf32, #tpu.memory_space<vmem>> -> memref<1x88x128xf32, #tpu.memory_space<vmem>>
    %dma_start3A_57 = tpu.memref_squeeze %dma_start3A_56 : memref<1x88x128xf32, #tpu.memory_space<vmem>> -> memref<88x128xf32, #tpu.memory_space<vmem>>
    %dma_start3A_58 = arith.constant 0 : i32
    %dma_start3A_59 = tpu.memref_slice %arg6[%dma_start3A, %dma_start3A_50, %dma_start3A_51, %dma_start3A_58] : memref<2x2x4x88xi32, #tpu.memory_space<vmem>> -> memref<1x1x1x88xi32, #tpu.memory_space<vmem>>
    %dma_start3A_60 = tpu.memref_squeeze %dma_start3A_59 : memref<1x1x1x88xi32, #tpu.memory_space<vmem>> -> memref<88xi32, #tpu.memory_space<vmem>>
    %dma_start3A_61 = arith.constant 0 : i32
    %dma_start3A_62 = arith.constant 0 : i32
    %dma_start3A_63 = tpu.memref_slice %arg2[%dma_start3A_61, %dma_start3A_62] : memref<10000x128xf32, #tpu.memory_space<hbm>> -> memref<10000x128xf32, #tpu.memory_space<hbm>>
    %dma_start3A_64 = tpu.memref_slice %arg9[%dma_start3A_53] : memref<4x!tpu.dma_semaphore, #tpu.memory_space<semaphore_mem>> -> memref<1x!tpu.dma_semaphore, #tpu.memory_space<semaphore_mem>>
    %dma_start3A_65 = tpu.memref_squeeze %dma_start3A_64 : memref<1x!tpu.dma_semaphore, #tpu.memory_space<semaphore_mem>> -> memref<!tpu.dma_semaphore, #tpu.memory_space<semaphore_mem>>
    tpu.enqueue_indirect_dma source(%dma_start3A_63 : memref<10000x128xf32, #tpu.memory_space<hbm>>) target(%dma_start3A_57 : memref<88x128xf32, #tpu.memory_space<vmem>>) offsets(%dma_start3A_60 : memref<88xi32, #tpu.memory_space<vmem>>) semaphore(%dma_start3A_65 : memref<!tpu.dma_semaphore, #tpu.memory_space<semaphore_mem>>)
    %dma_start3A_66 = arith.constant 0 : i32
    %dma_start3A_67 = arith.constant 0 : i32
    %dma_start3A_68 = arith.constant 1 : i32
    %dma_start3A_69 = arith.constant 1 : i32
    %dma_start3A_70 = arith.constant 1 : i32
    %dma_start3A_71 = arith.constant 0 : i32
    %dma_start3A_72 = arith.constant 0 : i32
    %dma_start3A_73 = tpu.memref_slice %arg7[%dma_start3A_69, %dma_start3A_71, %dma_start3A_72] : memref<4x88x128xf32, #tpu.memory_space<vmem>> -> memref<1x88x128xf32, #tpu.memory_space<vmem>>
    %dma_start3A_74 = tpu.memref_squeeze %dma_start3A_73 : memref<1x88x128xf32, #tpu.memory_space<vmem>> -> memref<88x128xf32, #tpu.memory_space<vmem>>
    %dma_start3A_75 = arith.constant 0 : i32
    %dma_start3A_76 = tpu.memref_slice %arg6[%dma_start3A_66, %dma_start3A_67, %dma_start3A_68, %dma_start3A_75] : memref<2x2x4x88xi32, #tpu.memory_space<vmem>> -> memref<1x1x1x88xi32, #tpu.memory_space<vmem>>
    %dma_start3A_77 = tpu.memref_squeeze %dma_start3A_76 : memref<1x1x1x88xi32, #tpu.memory_space<vmem>> -> memref<88xi32, #tpu.memory_space<vmem>>
    %dma_start3A_78 = arith.constant 0 : i32
    %dma_start3A_79 = arith.constant 0 : i32
    %dma_start3A_80 = tpu.memref_slice %arg2[%dma_start3A_78, %dma_start3A_79] : memref<10000x128xf32, #tpu.memory_space<hbm>> -> memref<10000x128xf32, #tpu.memory_space<hbm>>
    %dma_start3A_81 = tpu.memref_slice %arg9[%dma_start3A_70] : memref<4x!tpu.dma_semaphore, #tpu.memory_space<semaphore_mem>> -> memref<1x!tpu.dma_semaphore, #tpu.memory_space<semaphore_mem>>
    %dma_start3A_82 = tpu.memref_squeeze %dma_start3A_81 : memref<1x!tpu.dma_semaphore, #tpu.memory_space<semaphore_mem>> -> memref<!tpu.dma_semaphore, #tpu.memory_space<semaphore_mem>>
    tpu.enqueue_indirect_dma source(%dma_start3A_80 : memref<10000x128xf32, #tpu.memory_space<hbm>>) target(%dma_start3A_74 : memref<88x128xf32, #tpu.memory_space<vmem>>) offsets(%dma_start3A_77 : memref<88xi32, #tpu.memory_space<vmem>>) semaphore(%dma_start3A_82 : memref<!tpu.dma_semaphore, #tpu.memory_space<semaphore_mem>>)
    %dma_start3A_83 = arith.constant 0 : i32
    %dma_start3A_84 = arith.constant 0 : i32
    %dma_start3A_85 = arith.constant 2 : i32
    %dma_start3A_86 = arith.constant 2 : i32
    %dma_start3A_87 = arith.constant 2 : i32
    %dma_start3A_88 = arith.constant 0 : i32
    %dma_start3A_89 = arith.constant 0 : i32
    %dma_start3A_90 = tpu.memref_slice %arg7[%dma_start3A_86, %dma_start3A_88, %dma_start3A_89] : memref<4x88x128xf32, #tpu.memory_space<vmem>> -> memref<1x88x128xf32, #tpu.memory_space<vmem>>
    %dma_start3A_91 = tpu.memref_squeeze %dma_start3A_90 : memref<1x88x128xf32, #tpu.memory_space<vmem>> -> memref<88x128xf32, #tpu.memory_space<vmem>>
    %dma_start3A_92 = arith.constant 0 : i32
    %dma_start3A_93 = tpu.memref_slice %arg6[%dma_start3A_83, %dma_start3A_84, %dma_start3A_85, %dma_start3A_92] : memref<2x2x4x88xi32, #tpu.memory_space<vmem>> -> memref<1x1x1x88xi32, #tpu.memory_space<vmem>>
    %dma_start3A_94 = tpu.memref_squeeze %dma_start3A_93 : memref<1x1x1x88xi32, #tpu.memory_space<vmem>> -> memref<88xi32, #tpu.memory_space<vmem>>
    %dma_start3A_95 = arith.constant 0 : i32
    %dma_start3A_96 = arith.constant 0 : i32
    %dma_start3A_97 = tpu.memref_slice %arg2[%dma_start3A_95, %dma_start3A_96] : memref<10000x128xf32, #tpu.memory_space<hbm>> -> memref<10000x128xf32, #tpu.memory_space<hbm>>
    %dma_start3A_98 = tpu.memref_slice %arg9[%dma_start3A_87] : memref<4x!tpu.dma_semaphore, #tpu.memory_space<semaphore_mem>> -> memref<1x!tpu.dma_semaphore, #tpu.memory_space<semaphore_mem>>
    %dma_start3A_99 = tpu.memref_squeeze %dma_start3A_98 : memref<1x!tpu.dma_semaphore, #tpu.memory_space<semaphore_mem>> -> memref<!tpu.dma_semaphore, #tpu.memory_space<semaphore_mem>>
    tpu.enqueue_indirect_dma source(%dma_start3A_97 : memref<10000x128xf32, #tpu.memory_space<hbm>>) target(%dma_start3A_91 : memref<88x128xf32, #tpu.memory_space<vmem>>) offsets(%dma_start3A_94 : memref<88xi32, #tpu.memory_space<vmem>>) semaphore(%dma_start3A_99 : memref<!tpu.dma_semaphore, #tpu.memory_space<semaphore_mem>>)
    %dma_start3A_100 = arith.constant 0 : i32
    %dma_start3A_101 = arith.constant 0 : i32
    %dma_start3A_102 = arith.constant 3 : i32
    %dma_start3A_103 = arith.constant 3 : i32
    %dma_start3A_104 = arith.constant 3 : i32
    %dma_start3A_105 = arith.constant 0 : i32
    %dma_start3A_106 = arith.constant 0 : i32
    %dma_start3A_107 = tpu.memref_slice %arg7[%dma_start3A_103, %dma_start3A_105, %dma_start3A_106] : memref<4x88x128xf32, #tpu.memory_space<vmem>> -> memref<1x88x128xf32, #tpu.memory_space<vmem>>
    %dma_start3A_108 = tpu.memref_squeeze %dma_start3A_107 : memref<1x88x128xf32, #tpu.memory_space<vmem>> -> memref<88x128xf32, #tpu.memory_space<vmem>>
    %dma_start3A_109 = arith.constant 0 : i32
    %dma_start3A_110 = tpu.memref_slice %arg6[%dma_start3A_100, %dma_start3A_101, %dma_start3A_102, %dma_start3A_109] : memref<2x2x4x88xi32, #tpu.memory_space<vmem>> -> memref<1x1x1x88xi32, #tpu.memory_space<vmem>>
    %dma_start3A_111 = tpu.memref_squeeze %dma_start3A_110 : memref<1x1x1x88xi32, #tpu.memory_space<vmem>> -> memref<88xi32, #tpu.memory_space<vmem>>
    %dma_start3A_112 = arith.constant 0 : i32
    %dma_start3A_113 = arith.constant 0 : i32
    %dma_start3A_114 = tpu.memref_slice %arg2[%dma_start3A_112, %dma_start3A_113] : memref<10000x128xf32, #tpu.memory_space<hbm>> -> memref<10000x128xf32, #tpu.memory_space<hbm>>
    %dma_start3A_115 = tpu.memref_slice %arg9[%dma_start3A_104] : memref<4x!tpu.dma_semaphore, #tpu.memory_space<semaphore_mem>> -> memref<1x!tpu.dma_semaphore, #tpu.memory_space<semaphore_mem>>
    %dma_start3A_116 = tpu.memref_squeeze %dma_start3A_115 : memref<1x!tpu.dma_semaphore, #tpu.memory_space<semaphore_mem>> -> memref<!tpu.dma_semaphore, #tpu.memory_space<semaphore_mem>>
    tpu.enqueue_indirect_dma source(%dma_start3A_114 : memref<10000x128xf32, #tpu.memory_space<hbm>>) target(%dma_start3A_108 : memref<88x128xf32, #tpu.memory_space<vmem>>) offsets(%dma_start3A_111 : memref<88xi32, #tpu.memory_space<vmem>>) semaphore(%dma_start3A_116 : memref<!tpu.dma_semaphore, #tpu.memory_space<semaphore_mem>>)
    %dma_start3A_117 = arith.constant 1 : i32
    %dma_start3A_118 = arith.constant 1 : i32
    %dma_start3A_119 = arith.constant 0 : i32
    %dma_start3A_120 = arith.constant 0 : i32
    %dma_start3A_121 = arith.constant 0 : i32
    %dma_start3A_122 = arith.constant 0 : i32
    %dma_start3A_123 = tpu.memref_slice %arg6[%dma_start3A_118, %dma_start3A_119, %dma_start3A_121, %dma_start3A_122] : memref<2x2x4x88xi32, #tpu.memory_space<vmem>> -> memref<1x1x4x88xi32, #tpu.memory_space<vmem>>
    %dma_start3A_124 = tpu.memref_squeeze %dma_start3A_123 : memref<1x1x4x88xi32, #tpu.memory_space<vmem>> -> memref<4x88xi32, #tpu.memory_space<vmem>>
    %dma_start3A_125 = arith.constant 0 : i32
    %dma_start3A_126 = arith.constant 0 : i32
    %dma_start3A_127 = tpu.memref_slice %arg3[%add3A, %dma_start3A_117, %dma_start3A_125, %dma_start3A_126] : memref<16x57x4x88xi32, #tpu.memory_space<hbm>> -> memref<1x1x4x88xi32, #tpu.memory_space<hbm>>
    %dma_start3A_128 = tpu.memref_squeeze %dma_start3A_127 : memref<1x1x4x88xi32, #tpu.memory_space<hbm>> -> memref<4x88xi32, #tpu.memory_space<hbm>>
    %dma_start3A_129 = tpu.memref_slice %arg10[%dma_start3A_120] : memref<2x!tpu.dma_semaphore, #tpu.memory_space<semaphore_mem>> -> memref<1x!tpu.dma_semaphore, #tpu.memory_space<semaphore_mem>>
    %dma_start3A_130 = tpu.memref_squeeze %dma_start3A_129 : memref<1x!tpu.dma_semaphore, #tpu.memory_space<semaphore_mem>> -> memref<!tpu.dma_semaphore, #tpu.memory_space<semaphore_mem>>
    %dma_start3A_131 = arith.constant 0 : i32
    %dma_start3A_132 = arith.constant 0 : i32
    %dma_start3A_133 = tpu.memref_slice %arg6[%dma_start3A_118, %dma_start3A_119, %dma_start3A_131, %dma_start3A_132] : memref<2x2x4x88xi32, #tpu.memory_space<vmem>> -> memref<1x1x4x88xi32, #tpu.memory_space<vmem>>
    %dma_start3A_134 = tpu.memref_squeeze %dma_start3A_133 : memref<1x1x4x88xi32, #tpu.memory_space<vmem>> -> memref<4x88xi32, #tpu.memory_space<vmem>>
    %dma_start3A_135 = arith.constant 0 : i32
    %dma_start3A_136 = arith.constant 0 : i32
    %dma_start3A_137 = tpu.memref_slice %arg3[%add3A, %dma_start3A_117, %dma_start3A_135, %dma_start3A_136] : memref<16x57x4x88xi32, #tpu.memory_space<hbm>> -> memref<1x1x4x88xi32, #tpu.memory_space<hbm>>
    %dma_start3A_138 = tpu.memref_squeeze %dma_start3A_137 : memref<1x1x4x88xi32, #tpu.memory_space<hbm>> -> memref<4x88xi32, #tpu.memory_space<hbm>>
    tpu.enqueue_dma source(%dma_start3A_138 : memref<4x88xi32, #tpu.memory_space<hbm>>) target(%dma_start3A_134 : memref<4x88xi32, #tpu.memory_space<vmem>>) target_semaphore(%dma_start3A_130 : memref<!tpu.dma_semaphore, #tpu.memory_space<semaphore_mem>>)
    %dma_start3A_139 = arith.constant 1 : i32
    %dma_start3A_140 = arith.constant 1 : i32
    %dma_start3A_141 = arith.constant 1 : i32
    %dma_start3A_142 = arith.constant 1 : i32
    %dma_start3A_143 = arith.constant 0 : i32
    %dma_start3A_144 = arith.constant 0 : i32
    %dma_start3A_145 = tpu.memref_slice %arg6[%dma_start3A_140, %dma_start3A_141, %dma_start3A_143, %dma_start3A_144] : memref<2x2x4x88xi32, #tpu.memory_space<vmem>> -> memref<1x1x4x88xi32, #tpu.memory_space<vmem>>
    %dma_start3A_146 = tpu.memref_squeeze %dma_start3A_145 : memref<1x1x4x88xi32, #tpu.memory_space<vmem>> -> memref<4x88xi32, #tpu.memory_space<vmem>>
    %dma_start3A_147 = arith.constant 0 : i32
    %dma_start3A_148 = arith.constant 0 : i32
    %dma_start3A_149 = tpu.memref_slice %arg4[%add3A, %dma_start3A_139, %dma_start3A_147, %dma_start3A_148] : memref<16x57x4x88xi32, #tpu.memory_space<hbm>> -> memref<1x1x4x88xi32, #tpu.memory_space<hbm>>
    %dma_start3A_150 = tpu.memref_squeeze %dma_start3A_149 : memref<1x1x4x88xi32, #tpu.memory_space<hbm>> -> memref<4x88xi32, #tpu.memory_space<hbm>>
    %dma_start3A_151 = tpu.memref_slice %arg10[%dma_start3A_142] : memref<2x!tpu.dma_semaphore, #tpu.memory_space<semaphore_mem>> -> memref<1x!tpu.dma_semaphore, #tpu.memory_space<semaphore_mem>>
    %dma_start3A_152 = tpu.memref_squeeze %dma_start3A_151 : memref<1x!tpu.dma_semaphore, #tpu.memory_space<semaphore_mem>> -> memref<!tpu.dma_semaphore, #tpu.memory_space<semaphore_mem>>
    %dma_start3A_153 = arith.constant 0 : i32
    %dma_start3A_154 = arith.constant 0 : i32
    %dma_start3A_155 = tpu.memref_slice %arg6[%dma_start3A_140, %dma_start3A_141, %dma_start3A_153, %dma_start3A_154] : memref<2x2x4x88xi32, #tpu.memory_space<vmem>> -> memref<1x1x4x88xi32, #tpu.memory_space<vmem>>
    %dma_start3A_156 = tpu.memref_squeeze %dma_start3A_155 : memref<1x1x4x88xi32, #tpu.memory_space<vmem>> -> memref<4x88xi32, #tpu.memory_space<vmem>>
    %dma_start3A_157 = arith.constant 0 : i32
    %dma_start3A_158 = arith.constant 0 : i32
    %dma_start3A_159 = tpu.memref_slice %arg4[%add3A, %dma_start3A_139, %dma_start3A_157, %dma_start3A_158] : memref<16x57x4x88xi32, #tpu.memory_space<hbm>> -> memref<1x1x4x88xi32, #tpu.memory_space<hbm>>
    %dma_start3A_160 = tpu.memref_squeeze %dma_start3A_159 : memref<1x1x4x88xi32, #tpu.memory_space<hbm>> -> memref<4x88xi32, #tpu.memory_space<hbm>>
    tpu.enqueue_dma source(%dma_start3A_160 : memref<4x88xi32, #tpu.memory_space<hbm>>) target(%dma_start3A_156 : memref<4x88xi32, #tpu.memory_space<vmem>>) target_semaphore(%dma_start3A_152 : memref<!tpu.dma_semaphore, #tpu.memory_space<semaphore_mem>>)
    %scan3A_161 = arith.constant 0 : i32
    %scan3A_162 = arith.constant 57 : i32
    %scan3A_163 = arith.addi %scan3A_161, %scan3A_162 : i32
    %scan3A_164 = arith.constant 1 : i32
    scf.for %scan3A_171 = %scan3A_161 to %scan3A_163 step %scan3A_164  : i32 {
      %mul3A_172 = arith.constant 1 : i32
      %mul3A_173 = arith.muli %scan3A_171, %mul3A_172 : i32
      %add3A_174 = arith.constant 0 : i32
      %add3A_175 = arith.addi %add3A_174, %mul3A_173 : i32
      %rem3A = arith.constant 2 : i32
      %rem3A_176 = arith.remsi %add3A_175, %rem3A : i32
      %add3A_177 = arith.constant 1 : i32
      %add3A_178 = arith.addi %add3A_175, %add3A_177 : i32
      %rem3A_179 = arith.constant 2 : i32
      %rem3A_180 = arith.remsi %add3A_178, %rem3A_179 : i32
      %add3A_181 = arith.constant 1 : i32
      %add3A_182 = arith.addi %add3A_175, %add3A_181 : i32
      %lt3A = arith.constant 57 : i32
      %lt3A_183 = arith.cmpi slt, %add3A_182, %lt3A : i32
      %convert_element_type3A = arith.extui %lt3A_183 : i1 to i32
      %cond3A = arith.constant 0 : i32
      %cond3A_184 = arith.cmpi ne, %convert_element_type3A, %cond3A : i32
      scf.if %cond3A_184 {
        %dma_wait3A_299 = arith.constant 0 : i32
        %dma_wait3A_300 = arith.constant 0 : i32
        %dma_wait3A_301 = arith.constant 0 : i32
        %dma_wait3A_302 = arith.constant 0 : i32
        %dma_wait3A_303 = arith.constant 0 : i32
        %dma_wait3A_304 = tpu.memref_slice %arg6[%rem3A_180, %dma_wait3A_300, %dma_wait3A_302, %dma_wait3A_303] : memref<2x2x4x88xi32, #tpu.memory_space<vmem>> -> memref<1x1x4x88xi32, #tpu.memory_space<vmem>>
        %dma_wait3A_305 = tpu.memref_squeeze %dma_wait3A_304 : memref<1x1x4x88xi32, #tpu.memory_space<vmem>> -> memref<4x88xi32, #tpu.memory_space<vmem>>
        %dma_wait3A_306 = arith.constant 0 : i32
        %dma_wait3A_307 = arith.constant 0 : i32
        %dma_wait3A_308 = tpu.memref_slice %arg3[%add3A, %dma_wait3A_299, %dma_wait3A_306, %dma_wait3A_307] : memref<16x57x4x88xi32, #tpu.memory_space<hbm>> -> memref<1x1x4x88xi32, #tpu.memory_space<hbm>>
        %dma_wait3A_309 = tpu.memref_squeeze %dma_wait3A_308 : memref<1x1x4x88xi32, #tpu.memory_space<hbm>> -> memref<4x88xi32, #tpu.memory_space<hbm>>
        %dma_wait3A_310 = tpu.memref_slice %arg10[%dma_wait3A_301] : memref<2x!tpu.dma_semaphore, #tpu.memory_space<semaphore_mem>> -> memref<1x!tpu.dma_semaphore, #tpu.memory_space<semaphore_mem>>
        %dma_wait3A_311 = tpu.memref_squeeze %dma_wait3A_310 : memref<1x!tpu.dma_semaphore, #tpu.memory_space<semaphore_mem>> -> memref<!tpu.dma_semaphore, #tpu.memory_space<semaphore_mem>>
        %dma_wait3A_312 = arith.constant 0 : i32
        %dma_wait3A_313 = arith.constant 0 : i32
        %dma_wait3A_314 = tpu.memref_slice %arg6[%rem3A_180, %dma_wait3A_300, %dma_wait3A_312, %dma_wait3A_313] : memref<2x2x4x88xi32, #tpu.memory_space<vmem>> -> memref<1x1x4x88xi32, #tpu.memory_space<vmem>>
        %dma_wait3A_315 = tpu.memref_squeeze %dma_wait3A_314 : memref<1x1x4x88xi32, #tpu.memory_space<vmem>> -> memref<4x88xi32, #tpu.memory_space<vmem>>
        %dma_wait3A_316 = arith.constant 0 : i32
        %dma_wait3A_317 = arith.constant 0 : i32
        %dma_wait3A_318 = tpu.memref_slice %arg3[%add3A, %dma_wait3A_299, %dma_wait3A_316, %dma_wait3A_317] : memref<16x57x4x88xi32, #tpu.memory_space<hbm>> -> memref<1x1x4x88xi32, #tpu.memory_space<hbm>>
        %dma_wait3A_319 = tpu.memref_squeeze %dma_wait3A_318 : memref<1x1x4x88xi32, #tpu.memory_space<hbm>> -> memref<4x88xi32, #tpu.memory_space<hbm>>
        tpu.wait_dma2 semaphore(%dma_wait3A_311 : memref<!tpu.dma_semaphore, #tpu.memory_space<semaphore_mem>>) src(%dma_wait3A_319 : memref<4x88xi32, #tpu.memory_space<hbm>>) dst(%dma_wait3A_315 : memref<4x88xi32, #tpu.memory_space<vmem>>)
        %dma_wait3A_320 = arith.constant 0 : i32
        %dma_wait3A_321 = arith.constant 1 : i32
        %dma_wait3A_322 = arith.constant 1 : i32
        %dma_wait3A_323 = arith.constant 0 : i32
        %dma_wait3A_324 = arith.constant 0 : i32
        %dma_wait3A_325 = tpu.memref_slice %arg6[%rem3A_180, %dma_wait3A_321, %dma_wait3A_323, %dma_wait3A_324] : memref<2x2x4x88xi32, #tpu.memory_space<vmem>> -> memref<1x1x4x88xi32, #tpu.memory_space<vmem>>
        %dma_wait3A_326 = tpu.memref_squeeze %dma_wait3A_325 : memref<1x1x4x88xi32, #tpu.memory_space<vmem>> -> memref<4x88xi32, #tpu.memory_space<vmem>>
        %dma_wait3A_327 = arith.constant 0 : i32
        %dma_wait3A_328 = arith.constant 0 : i32
        %dma_wait3A_329 = tpu.memref_slice %arg4[%add3A, %dma_wait3A_320, %dma_wait3A_327, %dma_wait3A_328] : memref<16x57x4x88xi32, #tpu.memory_space<hbm>> -> memref<1x1x4x88xi32, #tpu.memory_space<hbm>>
        %dma_wait3A_330 = tpu.memref_squeeze %dma_wait3A_329 : memref<1x1x4x88xi32, #tpu.memory_space<hbm>> -> memref<4x88xi32, #tpu.memory_space<hbm>>
        %dma_wait3A_331 = tpu.memref_slice %arg10[%dma_wait3A_322] : memref<2x!tpu.dma_semaphore, #tpu.memory_space<semaphore_mem>> -> memref<1x!tpu.dma_semaphore, #tpu.memory_space<semaphore_mem>>
        %dma_wait3A_332 = tpu.memref_squeeze %dma_wait3A_331 : memref<1x!tpu.dma_semaphore, #tpu.memory_space<semaphore_mem>> -> memref<!tpu.dma_semaphore, #tpu.memory_space<semaphore_mem>>
        %dma_wait3A_333 = arith.constant 0 : i32
        %dma_wait3A_334 = arith.constant 0 : i32
        %dma_wait3A_335 = tpu.memref_slice %arg6[%rem3A_180, %dma_wait3A_321, %dma_wait3A_333, %dma_wait3A_334] : memref<2x2x4x88xi32, #tpu.memory_space<vmem>> -> memref<1x1x4x88xi32, #tpu.memory_space<vmem>>
        %dma_wait3A_336 = tpu.memref_squeeze %dma_wait3A_335 : memref<1x1x4x88xi32, #tpu.memory_space<vmem>> -> memref<4x88xi32, #tpu.memory_space<vmem>>
        %dma_wait3A_337 = arith.constant 0 : i32
        %dma_wait3A_338 = arith.constant 0 : i32
        %dma_wait3A_339 = tpu.memref_slice %arg4[%add3A, %dma_wait3A_320, %dma_wait3A_337, %dma_wait3A_338] : memref<16x57x4x88xi32, #tpu.memory_space<hbm>> -> memref<1x1x4x88xi32, #tpu.memory_space<hbm>>
        %dma_wait3A_340 = tpu.memref_squeeze %dma_wait3A_339 : memref<1x1x4x88xi32, #tpu.memory_space<hbm>> -> memref<4x88xi32, #tpu.memory_space<hbm>>
        tpu.wait_dma2 semaphore(%dma_wait3A_332 : memref<!tpu.dma_semaphore, #tpu.memory_space<semaphore_mem>>) src(%dma_wait3A_340 : memref<4x88xi32, #tpu.memory_space<hbm>>) dst(%dma_wait3A_336 : memref<4x88xi32, #tpu.memory_space<vmem>>)
      } else {
      }
      %dma_wait3A = arith.constant 0 : i32
      %dma_wait3A_185 = arith.constant 0 : i32
      %dma_wait3A_186 = arith.constant 0 : i32
      %dma_wait3A_187 = arith.constant 0 : i32
      %dma_wait3A_188 = arith.constant 0 : i32
      %dma_wait3A_189 = arith.constant 0 : i32
      %dma_wait3A_190 = arith.constant 0 : i32
      %dma_wait3A_191 = tpu.memref_slice %arg7[%dma_wait3A_187, %dma_wait3A_189, %dma_wait3A_190] : memref<4x88x128xf32, #tpu.memory_space<vmem>> -> memref<1x88x128xf32, #tpu.memory_space<vmem>>
      %dma_wait3A_192 = tpu.memref_squeeze %dma_wait3A_191 : memref<1x88x128xf32, #tpu.memory_space<vmem>> -> memref<88x128xf32, #tpu.memory_space<vmem>>
      %dma_wait3A_193 = arith.constant 0 : i32
      %dma_wait3A_194 = tpu.memref_slice %arg6[%dma_wait3A, %dma_wait3A_185, %dma_wait3A_186, %dma_wait3A_193] : memref<2x2x4x88xi32, #tpu.memory_space<vmem>> -> memref<1x1x1x88xi32, #tpu.memory_space<vmem>>
      %dma_wait3A_195 = tpu.memref_squeeze %dma_wait3A_194 : memref<1x1x1x88xi32, #tpu.memory_space<vmem>> -> memref<88xi32, #tpu.memory_space<vmem>>
      %dma_wait3A_196 = arith.constant 0 : i32
      %dma_wait3A_197 = arith.constant 0 : i32
      %dma_wait3A_198 = tpu.memref_slice %arg2[%dma_wait3A_196, %dma_wait3A_197] : memref<10000x128xf32, #tpu.memory_space<hbm>> -> memref<10000x128xf32, #tpu.memory_space<hbm>>
      %dma_wait3A_199 = tpu.memref_slice %arg9[%dma_wait3A_188] : memref<4x!tpu.dma_semaphore, #tpu.memory_space<semaphore_mem>> -> memref<1x!tpu.dma_semaphore, #tpu.memory_space<semaphore_mem>>
      %dma_wait3A_200 = tpu.memref_squeeze %dma_wait3A_199 : memref<1x!tpu.dma_semaphore, #tpu.memory_space<semaphore_mem>> -> memref<!tpu.dma_semaphore, #tpu.memory_space<semaphore_mem>>
      tpu.wait_indirect_dma semaphore(%dma_wait3A_200 : memref<!tpu.dma_semaphore, #tpu.memory_space<semaphore_mem>>) src(%dma_wait3A_198 : memref<10000x128xf32, #tpu.memory_space<hbm>>) dst(%dma_wait3A_192 : memref<88x128xf32, #tpu.memory_space<vmem>>)
      %run_scoped3A_201 = arith.constant 0 : i32
      %run_scoped3A_202 = arith.constant 1 : i32
      %run_scoped3A_203 = arith.constant 0 : i32
      "tpu.region"() ({
        %run_scoped3A_299 = tpu.sem_alloc : memref<!tpu.dma_semaphore, #tpu.memory_space<semaphore_mem>>
        %dma_start3A_300 = arith.constant 0 : i32
        %dma_start3A_301 = arith.constant 0 : i32
        %dma_start3A_302 = tpu.memref_slice %arg7[%run_scoped3A_201, %dma_start3A_300, %dma_start3A_301] : memref<4x88x128xf32, #tpu.memory_space<vmem>> -> memref<1x88x128xf32, #tpu.memory_space<vmem>>
        %dma_start3A_303 = tpu.memref_squeeze %dma_start3A_302 : memref<1x88x128xf32, #tpu.memory_space<vmem>> -> memref<88x128xf32, #tpu.memory_space<vmem>>
        %dma_start3A_304 = arith.constant 0 : i32
        %dma_start3A_305 = tpu.memref_slice %arg6[%rem3A_176, %run_scoped3A_202, %run_scoped3A_203, %dma_start3A_304] : memref<2x2x4x88xi32, #tpu.memory_space<vmem>> -> memref<1x1x1x88xi32, #tpu.memory_space<vmem>>
        %dma_start3A_306 = tpu.memref_squeeze %dma_start3A_305 : memref<1x1x1x88xi32, #tpu.memory_space<vmem>> -> memref<88xi32, #tpu.memory_space<vmem>>
        %dma_start3A_307 = arith.constant 0 : i32
        %dma_start3A_308 = arith.constant 0 : i32
        %dma_start3A_309 = tpu.memref_slice %arg8[%dma_start3A_307, %dma_start3A_308] : memref<10112x128xf32, #tpu.memory_space<vmem_shared>> -> memref<10112x128xf32, #tpu.memory_space<vmem_shared>>
        tpu.enqueue_indirect_dma source(%dma_start3A_303 : memref<88x128xf32, #tpu.memory_space<vmem>>) target(%dma_start3A_309 : memref<10112x128xf32, #tpu.memory_space<vmem_shared>>) offsets(%dma_start3A_306 : memref<88xi32, #tpu.memory_space<vmem>>) semaphore(%run_scoped3A_299 : memref<!tpu.dma_semaphore, #tpu.memory_space<semaphore_mem>>) {add = true}
        %dma_wait3A_310 = arith.constant 0 : i32
        %dma_wait3A_311 = arith.constant 0 : i32
        %dma_wait3A_312 = tpu.memref_slice %arg7[%run_scoped3A_201, %dma_wait3A_310, %dma_wait3A_311] : memref<4x88x128xf32, #tpu.memory_space<vmem>> -> memref<1x88x128xf32, #tpu.memory_space<vmem>>
        %dma_wait3A_313 = tpu.memref_squeeze %dma_wait3A_312 : memref<1x88x128xf32, #tpu.memory_space<vmem>> -> memref<88x128xf32, #tpu.memory_space<vmem>>
        %dma_wait3A_314 = arith.constant 0 : i32
        %dma_wait3A_315 = tpu.memref_slice %arg6[%rem3A_176, %run_scoped3A_202, %run_scoped3A_203, %dma_wait3A_314] : memref<2x2x4x88xi32, #tpu.memory_space<vmem>> -> memref<1x1x1x88xi32, #tpu.memory_space<vmem>>
        %dma_wait3A_316 = tpu.memref_squeeze %dma_wait3A_315 : memref<1x1x1x88xi32, #tpu.memory_space<vmem>> -> memref<88xi32, #tpu.memory_space<vmem>>
        %dma_wait3A_317 = arith.constant 0 : i32
        %dma_wait3A_318 = arith.constant 0 : i32
        %dma_wait3A_319 = tpu.memref_slice %arg8[%dma_wait3A_317, %dma_wait3A_318] : memref<10112x128xf32, #tpu.memory_space<vmem_shared>> -> memref<10112x128xf32, #tpu.memory_space<vmem_shared>>
        tpu.wait_indirect_dma semaphore(%run_scoped3A_299 : memref<!tpu.dma_semaphore, #tpu.memory_space<semaphore_mem>>) src(%dma_wait3A_313 : memref<88x128xf32, #tpu.memory_space<vmem>>) dst(%dma_wait3A_319 : memref<10112x128xf32, #tpu.memory_space<vmem_shared>>)
        tpu.yield
      }) : () -> ()
      %add3A_204 = arith.constant 1 : i32
      %add3A_205 = arith.addi %add3A_175, %add3A_204 : i32
      %lt3A_206 = arith.constant 57 : i32
      %lt3A_207 = arith.cmpi slt, %add3A_205, %lt3A_206 : i32
      %convert_element_type3A_208 = arith.extui %lt3A_207 : i1 to i32
      %cond3A_209 = arith.constant 0 : i32
      %cond3A_210 = arith.cmpi ne, %convert_element_type3A_208, %cond3A_209 : i32
      scf.if %cond3A_210 {
        %dma_start3A_299 = arith.constant 0 : i32
        %dma_start3A_300 = arith.constant 0 : i32
        %dma_start3A_301 = arith.constant 0 : i32
        %dma_start3A_302 = arith.constant 0 : i32
        %dma_start3A_303 = arith.constant 0 : i32
        %dma_start3A_304 = arith.constant 0 : i32
        %dma_start3A_305 = tpu.memref_slice %arg7[%dma_start3A_301, %dma_start3A_303, %dma_start3A_304] : memref<4x88x128xf32, #tpu.memory_space<vmem>> -> memref<1x88x128xf32, #tpu.memory_space<vmem>>
        %dma_start3A_306 = tpu.memref_squeeze %dma_start3A_305 : memref<1x88x128xf32, #tpu.memory_space<vmem>> -> memref<88x128xf32, #tpu.memory_space<vmem>>
        %dma_start3A_307 = arith.constant 0 : i32
        %dma_start3A_308 = tpu.memref_slice %arg6[%rem3A_180, %dma_start3A_299, %dma_start3A_300, %dma_start3A_307] : memref<2x2x4x88xi32, #tpu.memory_space<vmem>> -> memref<1x1x1x88xi32, #tpu.memory_space<vmem>>
        %dma_start3A_309 = tpu.memref_squeeze %dma_start3A_308 : memref<1x1x1x88xi32, #tpu.memory_space<vmem>> -> memref<88xi32, #tpu.memory_space<vmem>>
        %dma_start3A_310 = arith.constant 0 : i32
        %dma_start3A_311 = arith.constant 0 : i32
        %dma_start3A_312 = tpu.memref_slice %arg2[%dma_start3A_310, %dma_start3A_311] : memref<10000x128xf32, #tpu.memory_space<hbm>> -> memref<10000x128xf32, #tpu.memory_space<hbm>>
        %dma_start3A_313 = tpu.memref_slice %arg9[%dma_start3A_302] : memref<4x!tpu.dma_semaphore, #tpu.memory_space<semaphore_mem>> -> memref<1x!tpu.dma_semaphore, #tpu.memory_space<semaphore_mem>>
        %dma_start3A_314 = tpu.memref_squeeze %dma_start3A_313 : memref<1x!tpu.dma_semaphore, #tpu.memory_space<semaphore_mem>> -> memref<!tpu.dma_semaphore, #tpu.memory_space<semaphore_mem>>
        tpu.enqueue_indirect_dma source(%dma_start3A_312 : memref<10000x128xf32, #tpu.memory_space<hbm>>) target(%dma_start3A_306 : memref<88x128xf32, #tpu.memory_space<vmem>>) offsets(%dma_start3A_309 : memref<88xi32, #tpu.memory_space<vmem>>) semaphore(%dma_start3A_314 : memref<!tpu.dma_semaphore, #tpu.memory_space<semaphore_mem>>)
      } else {
      }
      %dma_wait3A_211 = arith.constant 0 : i32
      %dma_wait3A_212 = arith.constant 0 : i32
      %dma_wait3A_213 = arith.constant 0 : i32
      %dma_wait3A_214 = arith.constant 1 : i32
      %dma_wait3A_215 = arith.constant 1 : i32
      %dma_wait3A_216 = arith.constant 0 : i32
      %dma_wait3A_217 = arith.constant 0 : i32
      %dma_wait3A_218 = tpu.memref_slice %arg7[%dma_wait3A_214, %dma_wait3A_216, %dma_wait3A_217] : memref<4x88x128xf32, #tpu.memory_space<vmem>> -> memref<1x88x128xf32, #tpu.memory_space<vmem>>
      %dma_wait3A_219 = tpu.memref_squeeze %dma_wait3A_218 : memref<1x88x128xf32, #tpu.memory_space<vmem>> -> memref<88x128xf32, #tpu.memory_space<vmem>>
      %dma_wait3A_220 = arith.constant 0 : i32
      %dma_wait3A_221 = tpu.memref_slice %arg6[%dma_wait3A_211, %dma_wait3A_212, %dma_wait3A_213, %dma_wait3A_220] : memref<2x2x4x88xi32, #tpu.memory_space<vmem>> -> memref<1x1x1x88xi32, #tpu.memory_space<vmem>>
      %dma_wait3A_222 = tpu.memref_squeeze %dma_wait3A_221 : memref<1x1x1x88xi32, #tpu.memory_space<vmem>> -> memref<88xi32, #tpu.memory_space<vmem>>
      %dma_wait3A_223 = arith.constant 0 : i32
      %dma_wait3A_224 = arith.constant 0 : i32
      %dma_wait3A_225 = tpu.memref_slice %arg2[%dma_wait3A_223, %dma_wait3A_224] : memref<10000x128xf32, #tpu.memory_space<hbm>> -> memref<10000x128xf32, #tpu.memory_space<hbm>>
      %dma_wait3A_226 = tpu.memref_slice %arg9[%dma_wait3A_215] : memref<4x!tpu.dma_semaphore, #tpu.memory_space<semaphore_mem>> -> memref<1x!tpu.dma_semaphore, #tpu.memory_space<semaphore_mem>>
      %dma_wait3A_227 = tpu.memref_squeeze %dma_wait3A_226 : memref<1x!tpu.dma_semaphore, #tpu.memory_space<semaphore_mem>> -> memref<!tpu.dma_semaphore, #tpu.memory_space<semaphore_mem>>
      tpu.wait_indirect_dma semaphore(%dma_wait3A_227 : memref<!tpu.dma_semaphore, #tpu.memory_space<semaphore_mem>>) src(%dma_wait3A_225 : memref<10000x128xf32, #tpu.memory_space<hbm>>) dst(%dma_wait3A_219 : memref<88x128xf32, #tpu.memory_space<vmem>>)
      %run_scoped3A_228 = arith.constant 1 : i32
      %run_scoped3A_229 = arith.constant 1 : i32
      %run_scoped3A_230 = arith.constant 1 : i32
      "tpu.region"() ({
        %run_scoped3A_299 = tpu.sem_alloc : memref<!tpu.dma_semaphore, #tpu.memory_space<semaphore_mem>>
        %dma_start3A_300 = arith.constant 0 : i32
        %dma_start3A_301 = arith.constant 0 : i32
        %dma_start3A_302 = tpu.memref_slice %arg7[%run_scoped3A_228, %dma_start3A_300, %dma_start3A_301] : memref<4x88x128xf32, #tpu.memory_space<vmem>> -> memref<1x88x128xf32, #tpu.memory_space<vmem>>
        %dma_start3A_303 = tpu.memref_squeeze %dma_start3A_302 : memref<1x88x128xf32, #tpu.memory_space<vmem>> -> memref<88x128xf32, #tpu.memory_space<vmem>>
        %dma_start3A_304 = arith.constant 0 : i32
        %dma_start3A_305 = tpu.memref_slice %arg6[%rem3A_176, %run_scoped3A_229, %run_scoped3A_230, %dma_start3A_304] : memref<2x2x4x88xi32, #tpu.memory_space<vmem>> -> memref<1x1x1x88xi32, #tpu.memory_space<vmem>>
        %dma_start3A_306 = tpu.memref_squeeze %dma_start3A_305 : memref<1x1x1x88xi32, #tpu.memory_space<vmem>> -> memref<88xi32, #tpu.memory_space<vmem>>
        %dma_start3A_307 = arith.constant 0 : i32
        %dma_start3A_308 = arith.constant 0 : i32
        %dma_start3A_309 = tpu.memref_slice %arg8[%dma_start3A_307, %dma_start3A_308] : memref<10112x128xf32, #tpu.memory_space<vmem_shared>> -> memref<10112x128xf32, #tpu.memory_space<vmem_shared>>
        tpu.enqueue_indirect_dma source(%dma_start3A_303 : memref<88x128xf32, #tpu.memory_space<vmem>>) target(%dma_start3A_309 : memref<10112x128xf32, #tpu.memory_space<vmem_shared>>) offsets(%dma_start3A_306 : memref<88xi32, #tpu.memory_space<vmem>>) semaphore(%run_scoped3A_299 : memref<!tpu.dma_semaphore, #tpu.memory_space<semaphore_mem>>) {add = true}
        %dma_wait3A_310 = arith.constant 0 : i32
        %dma_wait3A_311 = arith.constant 0 : i32
        %dma_wait3A_312 = tpu.memref_slice %arg7[%run_scoped3A_228, %dma_wait3A_310, %dma_wait3A_311] : memref<4x88x128xf32, #tpu.memory_space<vmem>> -> memref<1x88x128xf32, #tpu.memory_space<vmem>>
        %dma_wait3A_313 = tpu.memref_squeeze %dma_wait3A_312 : memref<1x88x128xf32, #tpu.memory_space<vmem>> -> memref<88x128xf32, #tpu.memory_space<vmem>>
        %dma_wait3A_314 = arith.constant 0 : i32
        %dma_wait3A_315 = tpu.memref_slice %arg6[%rem3A_176, %run_scoped3A_229, %run_scoped3A_230, %dma_wait3A_314] : memref<2x2x4x88xi32, #tpu.memory_space<vmem>> -> memref<1x1x1x88xi32, #tpu.memory_space<vmem>>
        %dma_wait3A_316 = tpu.memref_squeeze %dma_wait3A_315 : memref<1x1x1x88xi32, #tpu.memory_space<vmem>> -> memref<88xi32, #tpu.memory_space<vmem>>
        %dma_wait3A_317 = arith.constant 0 : i32
        %dma_wait3A_318 = arith.constant 0 : i32
        %dma_wait3A_319 = tpu.memref_slice %arg8[%dma_wait3A_317, %dma_wait3A_318] : memref<10112x128xf32, #tpu.memory_space<vmem_shared>> -> memref<10112x128xf32, #tpu.memory_space<vmem_shared>>
        tpu.wait_indirect_dma semaphore(%run_scoped3A_299 : memref<!tpu.dma_semaphore, #tpu.memory_space<semaphore_mem>>) src(%dma_wait3A_313 : memref<88x128xf32, #tpu.memory_space<vmem>>) dst(%dma_wait3A_319 : memref<10112x128xf32, #tpu.memory_space<vmem_shared>>)
        tpu.yield
      }) : () -> ()
      %add3A_231 = arith.constant 1 : i32
      %add3A_232 = arith.addi %add3A_175, %add3A_231 : i32
      %lt3A_233 = arith.constant 57 : i32
      %lt3A_234 = arith.cmpi slt, %add3A_232, %lt3A_233 : i32
      %convert_element_type3A_235 = arith.extui %lt3A_234 : i1 to i32
      %cond3A_236 = arith.constant 0 : i32
      %cond3A_237 = arith.cmpi ne, %convert_element_type3A_235, %cond3A_236 : i32
      scf.if %cond3A_237 {
        %dma_start3A_299 = arith.constant 0 : i32
        %dma_start3A_300 = arith.constant 1 : i32
        %dma_start3A_301 = arith.constant 1 : i32
        %dma_start3A_302 = arith.constant 1 : i32
        %dma_start3A_303 = arith.constant 0 : i32
        %dma_start3A_304 = arith.constant 0 : i32
        %dma_start3A_305 = tpu.memref_slice %arg7[%dma_start3A_301, %dma_start3A_303, %dma_start3A_304] : memref<4x88x128xf32, #tpu.memory_space<vmem>> -> memref<1x88x128xf32, #tpu.memory_space<vmem>>
        %dma_start3A_306 = tpu.memref_squeeze %dma_start3A_305 : memref<1x88x128xf32, #tpu.memory_space<vmem>> -> memref<88x128xf32, #tpu.memory_space<vmem>>
        %dma_start3A_307 = arith.constant 0 : i32
        %dma_start3A_308 = tpu.memref_slice %arg6[%rem3A_180, %dma_start3A_299, %dma_start3A_300, %dma_start3A_307] : memref<2x2x4x88xi32, #tpu.memory_space<vmem>> -> memref<1x1x1x88xi32, #tpu.memory_space<vmem>>
        %dma_start3A_309 = tpu.memref_squeeze %dma_start3A_308 : memref<1x1x1x88xi32, #tpu.memory_space<vmem>> -> memref<88xi32, #tpu.memory_space<vmem>>
        %dma_start3A_310 = arith.constant 0 : i32
        %dma_start3A_311 = arith.constant 0 : i32
        %dma_start3A_312 = tpu.memref_slice %arg2[%dma_start3A_310, %dma_start3A_311] : memref<10000x128xf32, #tpu.memory_space<hbm>> -> memref<10000x128xf32, #tpu.memory_space<hbm>>
        %dma_start3A_313 = tpu.memref_slice %arg9[%dma_start3A_302] : memref<4x!tpu.dma_semaphore, #tpu.memory_space<semaphore_mem>> -> memref<1x!tpu.dma_semaphore, #tpu.memory_space<semaphore_mem>>
        %dma_start3A_314 = tpu.memref_squeeze %dma_start3A_313 : memref<1x!tpu.dma_semaphore, #tpu.memory_space<semaphore_mem>> -> memref<!tpu.dma_semaphore, #tpu.memory_space<semaphore_mem>>
        tpu.enqueue_indirect_dma source(%dma_start3A_312 : memref<10000x128xf32, #tpu.memory_space<hbm>>) target(%dma_start3A_306 : memref<88x128xf32, #tpu.memory_space<vmem>>) offsets(%dma_start3A_309 : memref<88xi32, #tpu.memory_space<vmem>>) semaphore(%dma_start3A_314 : memref<!tpu.dma_semaphore, #tpu.memory_space<semaphore_mem>>)
      } else {
      }
      %dma_wait3A_238 = arith.constant 0 : i32
      %dma_wait3A_239 = arith.constant 0 : i32
      %dma_wait3A_240 = arith.constant 0 : i32
      %dma_wait3A_241 = arith.constant 2 : i32
      %dma_wait3A_242 = arith.constant 2 : i32
      %dma_wait3A_243 = arith.constant 0 : i32
      %dma_wait3A_244 = arith.constant 0 : i32
      %dma_wait3A_245 = tpu.memref_slice %arg7[%dma_wait3A_241, %dma_wait3A_243, %dma_wait3A_244] : memref<4x88x128xf32, #tpu.memory_space<vmem>> -> memref<1x88x128xf32, #tpu.memory_space<vmem>>
      %dma_wait3A_246 = tpu.memref_squeeze %dma_wait3A_245 : memref<1x88x128xf32, #tpu.memory_space<vmem>> -> memref<88x128xf32, #tpu.memory_space<vmem>>
      %dma_wait3A_247 = arith.constant 0 : i32
      %dma_wait3A_248 = tpu.memref_slice %arg6[%dma_wait3A_238, %dma_wait3A_239, %dma_wait3A_240, %dma_wait3A_247] : memref<2x2x4x88xi32, #tpu.memory_space<vmem>> -> memref<1x1x1x88xi32, #tpu.memory_space<vmem>>
      %dma_wait3A_249 = tpu.memref_squeeze %dma_wait3A_248 : memref<1x1x1x88xi32, #tpu.memory_space<vmem>> -> memref<88xi32, #tpu.memory_space<vmem>>
      %dma_wait3A_250 = arith.constant 0 : i32
      %dma_wait3A_251 = arith.constant 0 : i32
      %dma_wait3A_252 = tpu.memref_slice %arg2[%dma_wait3A_250, %dma_wait3A_251] : memref<10000x128xf32, #tpu.memory_space<hbm>> -> memref<10000x128xf32, #tpu.memory_space<hbm>>
      %dma_wait3A_253 = tpu.memref_slice %arg9[%dma_wait3A_242] : memref<4x!tpu.dma_semaphore, #tpu.memory_space<semaphore_mem>> -> memref<1x!tpu.dma_semaphore, #tpu.memory_space<semaphore_mem>>
      %dma_wait3A_254 = tpu.memref_squeeze %dma_wait3A_253 : memref<1x!tpu.dma_semaphore, #tpu.memory_space<semaphore_mem>> -> memref<!tpu.dma_semaphore, #tpu.memory_space<semaphore_mem>>
      tpu.wait_indirect_dma semaphore(%dma_wait3A_254 : memref<!tpu.dma_semaphore, #tpu.memory_space<semaphore_mem>>) src(%dma_wait3A_252 : memref<10000x128xf32, #tpu.memory_space<hbm>>) dst(%dma_wait3A_246 : memref<88x128xf32, #tpu.memory_space<vmem>>)
      %run_scoped3A_255 = arith.constant 2 : i32
      %run_scoped3A_256 = arith.constant 1 : i32
      %run_scoped3A_257 = arith.constant 2 : i32
      "tpu.region"() ({
        %run_scoped3A_299 = tpu.sem_alloc : memref<!tpu.dma_semaphore, #tpu.memory_space<semaphore_mem>>
        %dma_start3A_300 = arith.constant 0 : i32
        %dma_start3A_301 = arith.constant 0 : i32
        %dma_start3A_302 = tpu.memref_slice %arg7[%run_scoped3A_255, %dma_start3A_300, %dma_start3A_301] : memref<4x88x128xf32, #tpu.memory_space<vmem>> -> memref<1x88x128xf32, #tpu.memory_space<vmem>>
        %dma_start3A_303 = tpu.memref_squeeze %dma_start3A_302 : memref<1x88x128xf32, #tpu.memory_space<vmem>> -> memref<88x128xf32, #tpu.memory_space<vmem>>
        %dma_start3A_304 = arith.constant 0 : i32
        %dma_start3A_305 = tpu.memref_slice %arg6[%rem3A_176, %run_scoped3A_256, %run_scoped3A_257, %dma_start3A_304] : memref<2x2x4x88xi32, #tpu.memory_space<vmem>> -> memref<1x1x1x88xi32, #tpu.memory_space<vmem>>
        %dma_start3A_306 = tpu.memref_squeeze %dma_start3A_305 : memref<1x1x1x88xi32, #tpu.memory_space<vmem>> -> memref<88xi32, #tpu.memory_space<vmem>>
        %dma_start3A_307 = arith.constant 0 : i32
        %dma_start3A_308 = arith.constant 0 : i32
        %dma_start3A_309 = tpu.memref_slice %arg8[%dma_start3A_307, %dma_start3A_308] : memref<10112x128xf32, #tpu.memory_space<vmem_shared>> -> memref<10112x128xf32, #tpu.memory_space<vmem_shared>>
        tpu.enqueue_indirect_dma source(%dma_start3A_303 : memref<88x128xf32, #tpu.memory_space<vmem>>) target(%dma_start3A_309 : memref<10112x128xf32, #tpu.memory_space<vmem_shared>>) offsets(%dma_start3A_306 : memref<88xi32, #tpu.memory_space<vmem>>) semaphore(%run_scoped3A_299 : memref<!tpu.dma_semaphore, #tpu.memory_space<semaphore_mem>>) {add = true}
        %dma_wait3A_310 = arith.constant 0 : i32
        %dma_wait3A_311 = arith.constant 0 : i32
        %dma_wait3A_312 = tpu.memref_slice %arg7[%run_scoped3A_255, %dma_wait3A_310, %dma_wait3A_311] : memref<4x88x128xf32, #tpu.memory_space<vmem>> -> memref<1x88x128xf32, #tpu.memory_space<vmem>>
        %dma_wait3A_313 = tpu.memref_squeeze %dma_wait3A_312 : memref<1x88x128xf32, #tpu.memory_space<vmem>> -> memref<88x128xf32, #tpu.memory_space<vmem>>
        %dma_wait3A_314 = arith.constant 0 : i32
        %dma_wait3A_315 = tpu.memref_slice %arg6[%rem3A_176, %run_scoped3A_256, %run_scoped3A_257, %dma_wait3A_314] : memref<2x2x4x88xi32, #tpu.memory_space<vmem>> -> memref<1x1x1x88xi32, #tpu.memory_space<vmem>>
        %dma_wait3A_316 = tpu.memref_squeeze %dma_wait3A_315 : memref<1x1x1x88xi32, #tpu.memory_space<vmem>> -> memref<88xi32, #tpu.memory_space<vmem>>
        %dma_wait3A_317 = arith.constant 0 : i32
        %dma_wait3A_318 = arith.constant 0 : i32
        %dma_wait3A_319 = tpu.memref_slice %arg8[%dma_wait3A_317, %dma_wait3A_318] : memref<10112x128xf32, #tpu.memory_space<vmem_shared>> -> memref<10112x128xf32, #tpu.memory_space<vmem_shared>>
        tpu.wait_indirect_dma semaphore(%run_scoped3A_299 : memref<!tpu.dma_semaphore, #tpu.memory_space<semaphore_mem>>) src(%dma_wait3A_313 : memref<88x128xf32, #tpu.memory_space<vmem>>) dst(%dma_wait3A_319 : memref<10112x128xf32, #tpu.memory_space<vmem_shared>>)
        tpu.yield
      }) : () -> ()
      %add3A_258 = arith.constant 1 : i32
      %add3A_259 = arith.addi %add3A_175, %add3A_258 : i32
      %lt3A_260 = arith.constant 57 : i32
      %lt3A_261 = arith.cmpi slt, %add3A_259, %lt3A_260 : i32
      %convert_element_type3A_262 = arith.extui %lt3A_261 : i1 to i32
      %cond3A_263 = arith.constant 0 : i32
      %cond3A_264 = arith.cmpi ne, %convert_element_type3A_262, %cond3A_263 : i32
      scf.if %cond3A_264 {
        %dma_start3A_299 = arith.constant 0 : i32
        %dma_start3A_300 = arith.constant 2 : i32
        %dma_start3A_301 = arith.constant 2 : i32
        %dma_start3A_302 = arith.constant 2 : i32
        %dma_start3A_303 = arith.constant 0 : i32
        %dma_start3A_304 = arith.constant 0 : i32
        %dma_start3A_305 = tpu.memref_slice %arg7[%dma_start3A_301, %dma_start3A_303, %dma_start3A_304] : memref<4x88x128xf32, #tpu.memory_space<vmem>> -> memref<1x88x128xf32, #tpu.memory_space<vmem>>
        %dma_start3A_306 = tpu.memref_squeeze %dma_start3A_305 : memref<1x88x128xf32, #tpu.memory_space<vmem>> -> memref<88x128xf32, #tpu.memory_space<vmem>>
        %dma_start3A_307 = arith.constant 0 : i32
        %dma_start3A_308 = tpu.memref_slice %arg6[%rem3A_180, %dma_start3A_299, %dma_start3A_300, %dma_start3A_307] : memref<2x2x4x88xi32, #tpu.memory_space<vmem>> -> memref<1x1x1x88xi32, #tpu.memory_space<vmem>>
        %dma_start3A_309 = tpu.memref_squeeze %dma_start3A_308 : memref<1x1x1x88xi32, #tpu.memory_space<vmem>> -> memref<88xi32, #tpu.memory_space<vmem>>
        %dma_start3A_310 = arith.constant 0 : i32
        %dma_start3A_311 = arith.constant 0 : i32
        %dma_start3A_312 = tpu.memref_slice %arg2[%dma_start3A_310, %dma_start3A_311] : memref<10000x128xf32, #tpu.memory_space<hbm>> -> memref<10000x128xf32, #tpu.memory_space<hbm>>
        %dma_start3A_313 = tpu.memref_slice %arg9[%dma_start3A_302] : memref<4x!tpu.dma_semaphore, #tpu.memory_space<semaphore_mem>> -> memref<1x!tpu.dma_semaphore, #tpu.memory_space<semaphore_mem>>
        %dma_start3A_314 = tpu.memref_squeeze %dma_start3A_313 : memref<1x!tpu.dma_semaphore, #tpu.memory_space<semaphore_mem>> -> memref<!tpu.dma_semaphore, #tpu.memory_space<semaphore_mem>>
        tpu.enqueue_indirect_dma source(%dma_start3A_312 : memref<10000x128xf32, #tpu.memory_space<hbm>>) target(%dma_start3A_306 : memref<88x128xf32, #tpu.memory_space<vmem>>) offsets(%dma_start3A_309 : memref<88xi32, #tpu.memory_space<vmem>>) semaphore(%dma_start3A_314 : memref<!tpu.dma_semaphore, #tpu.memory_space<semaphore_mem>>)
      } else {
      }
      %dma_wait3A_265 = arith.constant 0 : i32
      %dma_wait3A_266 = arith.constant 0 : i32
      %dma_wait3A_267 = arith.constant 0 : i32
      %dma_wait3A_268 = arith.constant 3 : i32
      %dma_wait3A_269 = arith.constant 3 : i32
      %dma_wait3A_270 = arith.constant 0 : i32
      %dma_wait3A_271 = arith.constant 0 : i32
      %dma_wait3A_272 = tpu.memref_slice %arg7[%dma_wait3A_268, %dma_wait3A_270, %dma_wait3A_271] : memref<4x88x128xf32, #tpu.memory_space<vmem>> -> memref<1x88x128xf32, #tpu.memory_space<vmem>>
      %dma_wait3A_273 = tpu.memref_squeeze %dma_wait3A_272 : memref<1x88x128xf32, #tpu.memory_space<vmem>> -> memref<88x128xf32, #tpu.memory_space<vmem>>
      %dma_wait3A_274 = arith.constant 0 : i32
      %dma_wait3A_275 = tpu.memref_slice %arg6[%dma_wait3A_265, %dma_wait3A_266, %dma_wait3A_267, %dma_wait3A_274] : memref<2x2x4x88xi32, #tpu.memory_space<vmem>> -> memref<1x1x1x88xi32, #tpu.memory_space<vmem>>
      %dma_wait3A_276 = tpu.memref_squeeze %dma_wait3A_275 : memref<1x1x1x88xi32, #tpu.memory_space<vmem>> -> memref<88xi32, #tpu.memory_space<vmem>>
      %dma_wait3A_277 = arith.constant 0 : i32
      %dma_wait3A_278 = arith.constant 0 : i32
      %dma_wait3A_279 = tpu.memref_slice %arg2[%dma_wait3A_277, %dma_wait3A_278] : memref<10000x128xf32, #tpu.memory_space<hbm>> -> memref<10000x128xf32, #tpu.memory_space<hbm>>
      %dma_wait3A_280 = tpu.memref_slice %arg9[%dma_wait3A_269] : memref<4x!tpu.dma_semaphore, #tpu.memory_space<semaphore_mem>> -> memref<1x!tpu.dma_semaphore, #tpu.memory_space<semaphore_mem>>
      %dma_wait3A_281 = tpu.memref_squeeze %dma_wait3A_280 : memref<1x!tpu.dma_semaphore, #tpu.memory_space<semaphore_mem>> -> memref<!tpu.dma_semaphore, #tpu.memory_space<semaphore_mem>>
      tpu.wait_indirect_dma semaphore(%dma_wait3A_281 : memref<!tpu.dma_semaphore, #tpu.memory_space<semaphore_mem>>) src(%dma_wait3A_279 : memref<10000x128xf32, #tpu.memory_space<hbm>>) dst(%dma_wait3A_273 : memref<88x128xf32, #tpu.memory_space<vmem>>)
      %run_scoped3A_282 = arith.constant 3 : i32
      %run_scoped3A_283 = arith.constant 1 : i32
      %run_scoped3A_284 = arith.constant 3 : i32
      "tpu.region"() ({
        %run_scoped3A_299 = tpu.sem_alloc : memref<!tpu.dma_semaphore, #tpu.memory_space<semaphore_mem>>
        %dma_start3A_300 = arith.constant 0 : i32
        %dma_start3A_301 = arith.constant 0 : i32
        %dma_start3A_302 = tpu.memref_slice %arg7[%run_scoped3A_282, %dma_start3A_300, %dma_start3A_301] : memref<4x88x128xf32, #tpu.memory_space<vmem>> -> memref<1x88x128xf32, #tpu.memory_space<vmem>>
        %dma_start3A_303 = tpu.memref_squeeze %dma_start3A_302 : memref<1x88x128xf32, #tpu.memory_space<vmem>> -> memref<88x128xf32, #tpu.memory_space<vmem>>
        %dma_start3A_304 = arith.constant 0 : i32
        %dma_start3A_305 = tpu.memref_slice %arg6[%rem3A_176, %run_scoped3A_283, %run_scoped3A_284, %dma_start3A_304] : memref<2x2x4x88xi32, #tpu.memory_space<vmem>> -> memref<1x1x1x88xi32, #tpu.memory_space<vmem>>
        %dma_start3A_306 = tpu.memref_squeeze %dma_start3A_305 : memref<1x1x1x88xi32, #tpu.memory_space<vmem>> -> memref<88xi32, #tpu.memory_space<vmem>>
        %dma_start3A_307 = arith.constant 0 : i32
        %dma_start3A_308 = arith.constant 0 : i32
        %dma_start3A_309 = tpu.memref_slice %arg8[%dma_start3A_307, %dma_start3A_308] : memref<10112x128xf32, #tpu.memory_space<vmem_shared>> -> memref<10112x128xf32, #tpu.memory_space<vmem_shared>>
        tpu.enqueue_indirect_dma source(%dma_start3A_303 : memref<88x128xf32, #tpu.memory_space<vmem>>) target(%dma_start3A_309 : memref<10112x128xf32, #tpu.memory_space<vmem_shared>>) offsets(%dma_start3A_306 : memref<88xi32, #tpu.memory_space<vmem>>) semaphore(%run_scoped3A_299 : memref<!tpu.dma_semaphore, #tpu.memory_space<semaphore_mem>>) {add = true}
        %dma_wait3A_310 = arith.constant 0 : i32
        %dma_wait3A_311 = arith.constant 0 : i32
        %dma_wait3A_312 = tpu.memref_slice %arg7[%run_scoped3A_282, %dma_wait3A_310, %dma_wait3A_311] : memref<4x88x128xf32, #tpu.memory_space<vmem>> -> memref<1x88x128xf32, #tpu.memory_space<vmem>>
        %dma_wait3A_313 = tpu.memref_squeeze %dma_wait3A_312 : memref<1x88x128xf32, #tpu.memory_space<vmem>> -> memref<88x128xf32, #tpu.memory_space<vmem>>
        %dma_wait3A_314 = arith.constant 0 : i32
        %dma_wait3A_315 = tpu.memref_slice %arg6[%rem3A_176, %run_scoped3A_283, %run_scoped3A_284, %dma_wait3A_314] : memref<2x2x4x88xi32, #tpu.memory_space<vmem>> -> memref<1x1x1x88xi32, #tpu.memory_space<vmem>>
        %dma_wait3A_316 = tpu.memref_squeeze %dma_wait3A_315 : memref<1x1x1x88xi32, #tpu.memory_space<vmem>> -> memref<88xi32, #tpu.memory_space<vmem>>
        %dma_wait3A_317 = arith.constant 0 : i32
        %dma_wait3A_318 = arith.constant 0 : i32
        %dma_wait3A_319 = tpu.memref_slice %arg8[%dma_wait3A_317, %dma_wait3A_318] : memref<10112x128xf32, #tpu.memory_space<vmem_shared>> -> memref<10112x128xf32, #tpu.memory_space<vmem_shared>>
        tpu.wait_indirect_dma semaphore(%run_scoped3A_299 : memref<!tpu.dma_semaphore, #tpu.memory_space<semaphore_mem>>) src(%dma_wait3A_313 : memref<88x128xf32, #tpu.memory_space<vmem>>) dst(%dma_wait3A_319 : memref<10112x128xf32, #tpu.memory_space<vmem_shared>>)
        tpu.yield
      }) : () -> ()
      %add3A_285 = arith.constant 1 : i32
      %add3A_286 = arith.addi %add3A_175, %add3A_285 : i32
      %lt3A_287 = arith.constant 57 : i32
      %lt3A_288 = arith.cmpi slt, %add3A_286, %lt3A_287 : i32
      %convert_element_type3A_289 = arith.extui %lt3A_288 : i1 to i32
      %cond3A_290 = arith.constant 0 : i32
      %cond3A_291 = arith.cmpi ne, %convert_element_type3A_289, %cond3A_290 : i32
      scf.if %cond3A_291 {
        %dma_start3A_299 = arith.constant 0 : i32
        %dma_start3A_300 = arith.constant 3 : i32
        %dma_start3A_301 = arith.constant 3 : i32
        %dma_start3A_302 = arith.constant 3 : i32
        %dma_start3A_303 = arith.constant 0 : i32
        %dma_start3A_304 = arith.constant 0 : i32
        %dma_start3A_305 = tpu.memref_slice %arg7[%dma_start3A_301, %dma_start3A_303, %dma_start3A_304] : memref<4x88x128xf32, #tpu.memory_space<vmem>> -> memref<1x88x128xf32, #tpu.memory_space<vmem>>
        %dma_start3A_306 = tpu.memref_squeeze %dma_start3A_305 : memref<1x88x128xf32, #tpu.memory_space<vmem>> -> memref<88x128xf32, #tpu.memory_space<vmem>>
        %dma_start3A_307 = arith.constant 0 : i32
        %dma_start3A_308 = tpu.memref_slice %arg6[%rem3A_180, %dma_start3A_299, %dma_start3A_300, %dma_start3A_307] : memref<2x2x4x88xi32, #tpu.memory_space<vmem>> -> memref<1x1x1x88xi32, #tpu.memory_space<vmem>>
        %dma_start3A_309 = tpu.memref_squeeze %dma_start3A_308 : memref<1x1x1x88xi32, #tpu.memory_space<vmem>> -> memref<88xi32, #tpu.memory_space<vmem>>
        %dma_start3A_310 = arith.constant 0 : i32
        %dma_start3A_311 = arith.constant 0 : i32
        %dma_start3A_312 = tpu.memref_slice %arg2[%dma_start3A_310, %dma_start3A_311] : memref<10000x128xf32, #tpu.memory_space<hbm>> -> memref<10000x128xf32, #tpu.memory_space<hbm>>
        %dma_start3A_313 = tpu.memref_slice %arg9[%dma_start3A_302] : memref<4x!tpu.dma_semaphore, #tpu.memory_space<semaphore_mem>> -> memref<1x!tpu.dma_semaphore, #tpu.memory_space<semaphore_mem>>
        %dma_start3A_314 = tpu.memref_squeeze %dma_start3A_313 : memref<1x!tpu.dma_semaphore, #tpu.memory_space<semaphore_mem>> -> memref<!tpu.dma_semaphore, #tpu.memory_space<semaphore_mem>>
        tpu.enqueue_indirect_dma source(%dma_start3A_312 : memref<10000x128xf32, #tpu.memory_space<hbm>>) target(%dma_start3A_306 : memref<88x128xf32, #tpu.memory_space<vmem>>) offsets(%dma_start3A_309 : memref<88xi32, #tpu.memory_space<vmem>>) semaphore(%dma_start3A_314 : memref<!tpu.dma_semaphore, #tpu.memory_space<semaphore_mem>>)
      } else {
      }
      %add3A_292 = arith.constant 2 : i32
      %add3A_293 = arith.addi %add3A_175, %add3A_292 : i32
      %lt3A_294 = arith.constant 57 : i32
      %lt3A_295 = arith.cmpi slt, %add3A_293, %lt3A_294 : i32
      %convert_element_type3A_296 = arith.extui %lt3A_295 : i1 to i32
      %cond3A_297 = arith.constant 0 : i32
      %cond3A_298 = arith.cmpi ne, %convert_element_type3A_296, %cond3A_297 : i32
      scf.if %cond3A_298 {
        %add3A_299 = arith.constant 2 : i32
        %add3A_300 = arith.addi %add3A_175, %add3A_299 : i32
        %dma_start3A_301 = arith.constant 0 : i32
        %dma_start3A_302 = arith.constant 0 : i32
        %dma_start3A_303 = arith.constant 0 : i32
        %dma_start3A_304 = arith.constant 0 : i32
        %dma_start3A_305 = tpu.memref_slice %arg6[%rem3A_176, %dma_start3A_301, %dma_start3A_303, %dma_start3A_304] : memref<2x2x4x88xi32, #tpu.memory_space<vmem>> -> memref<1x1x4x88xi32, #tpu.memory_space<vmem>>
        %dma_start3A_306 = tpu.memref_squeeze %dma_start3A_305 : memref<1x1x4x88xi32, #tpu.memory_space<vmem>> -> memref<4x88xi32, #tpu.memory_space<vmem>>
        %dma_start3A_307 = arith.constant 0 : i32
        %dma_start3A_308 = arith.constant 0 : i32
        %dma_start3A_309 = tpu.memref_slice %arg3[%add3A, %add3A_300, %dma_start3A_307, %dma_start3A_308] : memref<16x57x4x88xi32, #tpu.memory_space<hbm>> -> memref<1x1x4x88xi32, #tpu.memory_space<hbm>>
        %dma_start3A_310 = tpu.memref_squeeze %dma_start3A_309 : memref<1x1x4x88xi32, #tpu.memory_space<hbm>> -> memref<4x88xi32, #tpu.memory_space<hbm>>
        %dma_start3A_311 = tpu.memref_slice %arg10[%dma_start3A_302] : memref<2x!tpu.dma_semaphore, #tpu.memory_space<semaphore_mem>> -> memref<1x!tpu.dma_semaphore, #tpu.memory_space<semaphore_mem>>
        %dma_start3A_312 = tpu.memref_squeeze %dma_start3A_311 : memref<1x!tpu.dma_semaphore, #tpu.memory_space<semaphore_mem>> -> memref<!tpu.dma_semaphore, #tpu.memory_space<semaphore_mem>>
        %dma_start3A_313 = arith.constant 0 : i32
        %dma_start3A_314 = arith.constant 0 : i32
        %dma_start3A_315 = tpu.memref_slice %arg6[%rem3A_176, %dma_start3A_301, %dma_start3A_313, %dma_start3A_314] : memref<2x2x4x88xi32, #tpu.memory_space<vmem>> -> memref<1x1x4x88xi32, #tpu.memory_space<vmem>>
        %dma_start3A_316 = tpu.memref_squeeze %dma_start3A_315 : memref<1x1x4x88xi32, #tpu.memory_space<vmem>> -> memref<4x88xi32, #tpu.memory_space<vmem>>
        %dma_start3A_317 = arith.constant 0 : i32
        %dma_start3A_318 = arith.constant 0 : i32
        %dma_start3A_319 = tpu.memref_slice %arg3[%add3A, %add3A_300, %dma_start3A_317, %dma_start3A_318] : memref<16x57x4x88xi32, #tpu.memory_space<hbm>> -> memref<1x1x4x88xi32, #tpu.memory_space<hbm>>
        %dma_start3A_320 = tpu.memref_squeeze %dma_start3A_319 : memref<1x1x4x88xi32, #tpu.memory_space<hbm>> -> memref<4x88xi32, #tpu.memory_space<hbm>>
        tpu.enqueue_dma source(%dma_start3A_320 : memref<4x88xi32, #tpu.memory_space<hbm>>) target(%dma_start3A_316 : memref<4x88xi32, #tpu.memory_space<vmem>>) target_semaphore(%dma_start3A_312 : memref<!tpu.dma_semaphore, #tpu.memory_space<semaphore_mem>>)
        %add3A_321 = arith.constant 2 : i32
        %add3A_322 = arith.addi %add3A_175, %add3A_321 : i32
        %dma_start3A_323 = arith.constant 1 : i32
        %dma_start3A_324 = arith.constant 1 : i32
        %dma_start3A_325 = arith.constant 0 : i32
        %dma_start3A_326 = arith.constant 0 : i32
        %dma_start3A_327 = tpu.memref_slice %arg6[%rem3A_176, %dma_start3A_323, %dma_start3A_325, %dma_start3A_326] : memref<2x2x4x88xi32, #tpu.memory_space<vmem>> -> memref<1x1x4x88xi32, #tpu.memory_space<vmem>>
        %dma_start3A_328 = tpu.memref_squeeze %dma_start3A_327 : memref<1x1x4x88xi32, #tpu.memory_space<vmem>> -> memref<4x88xi32, #tpu.memory_space<vmem>>
        %dma_start3A_329 = arith.constant 0 : i32
        %dma_start3A_330 = arith.constant 0 : i32
        %dma_start3A_331 = tpu.memref_slice %arg4[%add3A, %add3A_322, %dma_start3A_329, %dma_start3A_330] : memref<16x57x4x88xi32, #tpu.memory_space<hbm>> -> memref<1x1x4x88xi32, #tpu.memory_space<hbm>>
        %dma_start3A_332 = tpu.memref_squeeze %dma_start3A_331 : memref<1x1x4x88xi32, #tpu.memory_space<hbm>> -> memref<4x88xi32, #tpu.memory_space<hbm>>
        %dma_start3A_333 = tpu.memref_slice %arg10[%dma_start3A_324] : memref<2x!tpu.dma_semaphore, #tpu.memory_space<semaphore_mem>> -> memref<1x!tpu.dma_semaphore, #tpu.memory_space<semaphore_mem>>
        %dma_start3A_334 = tpu.memref_squeeze %dma_start3A_333 : memref<1x!tpu.dma_semaphore, #tpu.memory_space<semaphore_mem>> -> memref<!tpu.dma_semaphore, #tpu.memory_space<semaphore_mem>>
        %dma_start3A_335 = arith.constant 0 : i32
        %dma_start3A_336 = arith.constant 0 : i32
        %dma_start3A_337 = tpu.memref_slice %arg6[%rem3A_176, %dma_start3A_323, %dma_start3A_335, %dma_start3A_336] : memref<2x2x4x88xi32, #tpu.memory_space<vmem>> -> memref<1x1x4x88xi32, #tpu.memory_space<vmem>>
        %dma_start3A_338 = tpu.memref_squeeze %dma_start3A_337 : memref<1x1x4x88xi32, #tpu.memory_space<vmem>> -> memref<4x88xi32, #tpu.memory_space<vmem>>
        %dma_start3A_339 = arith.constant 0 : i32
        %dma_start3A_340 = arith.constant 0 : i32
        %dma_start3A_341 = tpu.memref_slice %arg4[%add3A, %add3A_322, %dma_start3A_339, %dma_start3A_340] : memref<16x57x4x88xi32, #tpu.memory_space<hbm>> -> memref<1x1x4x88xi32, #tpu.memory_space<hbm>>
        %dma_start3A_342 = tpu.memref_squeeze %dma_start3A_341 : memref<1x1x4x88xi32, #tpu.memory_space<hbm>> -> memref<4x88xi32, #tpu.memory_space<hbm>>
        tpu.enqueue_dma source(%dma_start3A_342 : memref<4x88xi32, #tpu.memory_space<hbm>>) target(%dma_start3A_338 : memref<4x88xi32, #tpu.memory_space<vmem>>) target_semaphore(%dma_start3A_334 : memref<!tpu.dma_semaphore, #tpu.memory_space<semaphore_mem>>)
      } else {
      }
    }
    %scan3A_165 = arith.constant 57 : i32
    %barrier3A_166 = arith.constant 0 : index
    tpu.barrier barrier_id(%barrier3A_166)
    %mul3A_167 = arith.constant 632 : i32
    %mul3A_168 = arith.muli %arg1, %mul3A_167 : i32
    %mul3A_169 = arith.constant 632 : i32
    %mul3A_170 = arith.muli %arg1, %mul3A_169 : i32
    "tpu.region"() ({
      %run_scoped3A_171 = tpu.sem_alloc : memref<!tpu.dma_semaphore, #tpu.memory_space<semaphore_mem>>
      %dma_start3A_172 = arith.constant 0 : i32
      %dma_start3A_173 = tpu.memref_slice %arg5[%arg0, %mul3A_170, %dma_start3A_172] : memref<1x10112x128xf32, #tpu.memory_space<hbm>> -> memref<1x632x128xf32, #tpu.memory_space<hbm>>
      %dma_start3A_174 = tpu.memref_squeeze %dma_start3A_173 : memref<1x632x128xf32, #tpu.memory_space<hbm>> -> memref<632x128xf32, #tpu.memory_space<hbm>>
      %dma_start3A_175 = arith.constant 0 : i32
      %dma_start3A_176 = tpu.memref_slice %arg8[%mul3A_168, %dma_start3A_175] : memref<10112x128xf32, #tpu.memory_space<vmem_shared>> -> memref<632x128xf32, #tpu.memory_space<vmem_shared>>
      tpu.enqueue_dma source(%dma_start3A_176 : memref<632x128xf32, #tpu.memory_space<vmem_shared>>) target(%dma_start3A_174 : memref<632x128xf32, #tpu.memory_space<hbm>>) target_semaphore(%run_scoped3A_171 : memref<!tpu.dma_semaphore, #tpu.memory_space<semaphore_mem>>)
      %dma_wait3A = arith.constant 0 : i32
      %dma_wait3A_177 = tpu.memref_slice %arg5[%arg0, %mul3A_170, %dma_wait3A] : memref<1x10112x128xf32, #tpu.memory_space<hbm>> -> memref<1x632x128xf32, #tpu.memory_space<hbm>>
      %dma_wait3A_178 = tpu.memref_squeeze %dma_wait3A_177 : memref<1x632x128xf32, #tpu.memory_space<hbm>> -> memref<632x128xf32, #tpu.memory_space<hbm>>
      %dma_wait3A_179 = arith.constant 0 : i32
      %dma_wait3A_180 = tpu.memref_slice %arg8[%mul3A_168, %dma_wait3A_179] : memref<10112x128xf32, #tpu.memory_space<vmem_shared>> -> memref<632x128xf32, #tpu.memory_space<vmem_shared>>
      tpu.wait_dma2 semaphore(%run_scoped3A_171 : memref<!tpu.dma_semaphore, #tpu.memory_space<semaphore_mem>>) src(%dma_wait3A_180 : memref<632x128xf32, #tpu.memory_space<vmem_shared>>) dst(%dma_wait3A_178 : memref<632x128xf32, #tpu.memory_space<hbm>>)
      tpu.yield
    }) : () -> ()
    return
  }
}

module attributes {stable_mosaic.version = 14 : i64} {
  func.func @body(%arg0: i32, %arg1: memref<1xf32, #tpu.memory_space<smem>>, %arg2: memref<1000x128xf32, #tpu.memory_space<vmem>>, %arg3: memref<1000x128xf32, #tpu.memory_space<vmem>>, %arg4: memref<1000x128xf32, #tpu.memory_space<vmem>>) attributes {dimension_semantics = [#tpu.dimension_semantics<arbitrary>], iteration_bounds = array<i64: 10>, scalar_prefetch = 0 : i64, scratch_operands = 0 : i64, tpu.core_type = #tpu.core_type<tc>, window_params = [{transform_indices = @transform_0, window_bounds = array<i64: 1>}, {transform_indices = @transform_1, window_bounds = array<i64: 1000, 128>}, {transform_indices = @transform_2, window_bounds = array<i64: 1000, 128>}, {transform_indices = @transform_3, window_bounds = array<i64: 1000, 128>}]} {
    %get3A = arith.constant 0 : index
    %get3A_0 = memref.load %arg1[%get3A] : memref<1xf32, #tpu.memory_space<smem>>
    %add3A = arith.constant 1.000000e+00 : f32
    %add3A_1 = arith.addf %add3A, %get3A_0 : f32
    %get3A_2 = arith.constant 0 : index
    %get3A_3 = arith.constant 0 : index
    %get3A_4 = vector.load %arg2[%get3A_2, %get3A_3] : memref<1000x128xf32, #tpu.memory_space<vmem>>, vector<1000x128xf32>
    %mul3A = vector.broadcast %add3A_1 : f32 to vector<1000x128xf32>
    %mul3A_5 = arith.mulf %mul3A, %get3A_4 : vector<1000x128xf32>
    %get3A_6 = arith.constant 0 : index
    %get3A_7 = arith.constant 0 : index
    %get3A_8 = vector.load %arg3[%get3A_6, %get3A_7] : memref<1000x128xf32, #tpu.memory_space<vmem>>, vector<1000x128xf32>
    %add3A_9 = arith.addf %mul3A_5, %get3A_8 : vector<1000x128xf32>
    %swap3A = arith.constant 0 : index
    %swap3A_10 = arith.constant 0 : index
    %swap3A_11 = vector.load %arg4[%swap3A, %swap3A_10] : memref<1000x128xf32, #tpu.memory_space<vmem>>, vector<1000x128xf32>
    tpu.vector_store %arg4[%swap3A, %swap3A_10], %add3A_9 {strides = array<i32>} : memref<1000x128xf32, #tpu.memory_space<vmem>>, vector<1000x128xf32>,
    return
  }
  func.func @transform_0(%arg0: i32) -> i32 {
    %c0_i32 = arith.constant 0 : i32
    %c0_i32_0 = arith.constant 0 : i32
    return %c0_i32 : i32
  }
  func.func @transform_1(%arg0: i32) -> (i32, i32) {
    %c0_i32 = arith.constant 0 : i32
    %c0_i32_0 = arith.constant 0 : i32
    return %arg0, %c0_i32 : i32, i32
  }
  func.func @transform_2(%arg0: i32) -> (i32, i32) {
    %c0_i32 = arith.constant 0 : i32
    %c0_i32_0 = arith.constant 0 : i32
    return %arg0, %c0_i32 : i32, i32
  }
  func.func @transform_3(%arg0: i32) -> (i32, i32) {
    %c0_i32 = arith.constant 0 : i32
    %c0_i32_0 = arith.constant 0 : i32
    return %arg0, %c0_i32 : i32, i32
  }
}

</mosaic_0001>

<sc_bundles>
// kernel: kernel.4.cloned.1.call-start
scs
__scs_entry_jumppad:
0x0: {  	(pc) =	sbr.rel $0x88, $3  }
0x1: {  	(tag) =	ssettag $0x0;
	lr =	simm.s32 $0x1  }
0x2: {  	[smem:$0x3F9E] =	sst lr;
	_ =	strace $0xD0000000  }
0x3: {  	_ = 	snop  }
0x4: {  	_ = 	snop  }
0x5: {  	_ = 	snop  }
0x6: {  	_ = 	snop  }
0x7: {  	_ = 	snop  }
__scs_overlays_trampoline_lowered:
0x8: {  	[smem:$0x3FAD] =	sst s0  }
0x9: {  	[smem:$0x3FAE] =	sst s1  }
0xa: {  	[smem:$0x3FAF] =	sst s2  }
0xb: {  	[smem:$0x3FB0] =	sst s3  }
0xc: {  	[smem:$0x3FB1] =	sst s4  }
0xd: {  	[smem:$0x3FB2] =	sst s5  }
0xe: {  	[smem:$0x3FB3] =	sst s6  }
0xf: {  	[smem:$0x3FB4] =	sst s7  }
0x10: {  	[smem:$0x3FB5] =	sst s8  }
0x11: {  	[smem:$0x3FB6] =	sst s9;
	s0 =	simm.s32 @!p0 $0x0  }
0x12: {  	s1 =	sld [smem:$0x3F9C];
	s0 =	simm.s32 @p0 $0x1  }
0x13: {  	[smem:$0x3FB7] =	sst s0;
	s0 =	simm.s32 @!p1 $0x0  }
0x14: {  	s2 =	sld [smem:$0x3F9B];
	s0 =	simm.s32 @p1 $0x1  }
0x15: {  	[smem:$0x3FB8] =	sst s0;
	s0 =	simm.s32 @!p2 $0x0  }
0x16: {  	s3 =	sld [smem:$0x3FDB];
	s0 =	simm.s32 @p2 $0x1  }
0x17: {  	s4 =	simm.s32 $0x1BF5;
	[smem:$0x3FBA] =	sst s0  }
0x18: {  	s0 =	sld [smem:$0x3F9D];
	_ =	swait.ge [sflag:s4], $0x0  }
0x19: {  	s7 =	sld [smem:$0x3F9E]  }
0x1a: {  	s8 =	sadd.s32 $0xFFFFE003, lr  }
0x1b: {  	s9 =	sadd.s32 $0xFFFFFEF7, lr;
	s5 =	simm.s32 $0xFFFFFFFF;
	p2 =	slt.u32 s8, $0xFFFFF086  }
0x1c: {  	p1 =	slt.u32 s9, $0xF7A;
	s5 =	simm.s32 @!p2 $0x0  }
0x1d: {  	s5 =	simm.s32 @p1 $0x1;
	p0 =	seq.s32 s7, s2  }
0x1e: {  	s7 =	smul.u32 @!p0 $0xF7A, s2;
	p2 =	seq.s32 @!p0 s5, $0x0  }
0x1f: {  	s9 =	smul.u32 $0xF7A, s1;
	s8 =	simm.s32 @!p0 $0x1BF5;
	p2 =	por !p2, p0  }
0x20: {  	[sflag:s8] =	ssyncset.s32 @!p0 $0xFFFFF086;
	s6 =	sadd.s32 @!p0 s3, s7;
	s7 =	simm.s32 @!p0 $0x108  }
0x21: {  	s3 =	sadd.s32 s3, s9;
	s6 =	sadd.s32 @!p0 $0x88, s6;
	s7 =	simm.s32 @p2 $0x1082  }
0x22: {  	[simem:s7], [sflag:s8] =	dma.local @!p0 [hbm:s6], $0xF7A  }
0x23: {  	s9 =	sor.u32 $0xD0000000, s2;
	s6 =	simm.s32 $0x108;
	_ =	swait.ge @!p0 [sflag:s8], $0x0  }
0x24: {  	s3 =	sadd.s32 $0x88, s3;
	s6 =	simm.s32 @!p1 $0x1082;
	[sflag:s4] =	ssyncset.s32 $0xFFFFF086  }
0x25: {  	[simem:s6], [sflag:s4] =	dma.local [hbm:s3], $0xF7A  }
0x26: {  	[smem:$0x3F9E] =	sst s1;
	(tag) =	ssettag s2;
	_ =	strace s9  }
0x27: {  	s1 =	sld [smem:$0x3FAE]  }
0x28: {  	s2 =	sld [smem:$0x3FAF]  }
0x29: {  	s4 =	sld [smem:$0x3FB1]  }
0x2a: {  	p0 =	seq.s32 s5, $0x0;
	s5 =	sld [smem:$0x3FB2]  }
0x2b: {  	s6 =	sld [smem:$0x3FB3]  }
0x2c: {  	s7 =	sld [smem:$0x3FB4]  }
0x2d: {  	s3 =	simm.s32 $0x108;
	s8 =	sld [smem:$0x3FB5]  }
0x2e: {  	s3 =	simm.s32 @!p0 $0x1082;
	s9 =	sld [smem:$0x3FB6]  }
0x2f: {  	lr =	sadd.s32 s0, s3;
	s0 =	sld [smem:$0x3FAD]  }
0x30: {  	s3 =	sld [smem:$0x3FB0]  }
0x31: {  	[smem:$0x3FB9] =	sst s10  }
0x32: {  	s10 =	sld [smem:$0x3FB7];
	_ =	sdelay $0x3  }
0x33: {  	p0 =	seq.s32 s10, $0x1;
	s10 =	sld [smem:$0x3FB9];
	_ =	sdelay $0x3  }
0x34: {  	[smem:$0x3FB9] =	sst s10  }
0x35: {  	s10 =	sld [smem:$0x3FB8];
	_ =	sdelay $0x3  }
0x36: {  	p1 =	seq.s32 s10, $0x1;
	s10 =	sld [smem:$0x3FB9];
	_ =	sdelay $0x3  }
0x37: {  	[smem:$0x3FB9] =	sst s10  }
0x38: {  	s10 =	sld [smem:$0x3FBA]  }
0x39: {  	_ = 	snop;
	(pc) =	sbr.ind lr, $3  }
0x3a: {  	_ = 	snop  }
0x3b: {  	_ = 	snop  }
0x3c: {  	p2 =	seq.s32 s10, $0x1;
	s10 =	sld [smem:$0x3FB9]  }
0x3d: {  	_ =	shalt  }
0x3e: {  	_ =	shalt  }
0x3f: {  	_ =	shalt  }
0x40: {  	_ =	shalt  }
0x41: {  	_ =	shalt  }
0x42: {  	_ =	shalt  }
0x43: {  	_ =	shalt  }
0x44: {  	_ =	shalt  }
0x45: {  	_ =	shalt  }
0x46: {  	_ =	shalt  }
0x47: {  	_ =	shalt  }
0x48: {  	_ =	shalt  }
0x49: {  	_ =	shalt  }
0x4a: {  	_ =	shalt  }
0x4b: {  	_ =	shalt  }
0x4c: {  	_ =	shalt  }
0x4d: {  	_ =	shalt  }
0x4e: {  	_ =	shalt  }
0x4f: {  	_ =	shalt  }
0x50: {  	_ =	shalt  }
0x51: {  	_ =	shalt  }
0x52: {  	_ =	shalt  }
0x53: {  	_ =	shalt  }
0x54: {  	_ =	shalt  }
0x55: {  	_ =	shalt  }
0x56: {  	_ =	shalt  }
0x57: {  	_ =	shalt  }
0x58: {  	_ =	shalt  }
0x59: {  	_ =	shalt  }
0x5a: {  	_ =	shalt  }
0x5b: {  	_ =	shalt  }
0x5c: {  	_ =	shalt  }
0x5d: {  	_ =	shalt  }
0x5e: {  	_ =	shalt  }
0x5f: {  	_ =	shalt  }
0x60: {  	_ =	shalt  }
0x61: {  	_ =	shalt  }
0x62: {  	_ =	shalt  }
0x63: {  	_ =	shalt  }
0x64: {  	_ =	shalt  }
0x65: {  	_ =	shalt  }
0x66: {  	_ =	shalt  }
0x67: {  	_ =	shalt  }
0x68: {  	_ =	shalt  }
0x69: {  	_ =	shalt  }
0x6a: {  	_ =	shalt  }
0x6b: {  	_ =	shalt  }
0x6c: {  	_ =	shalt  }
0x6d: {  	_ =	shalt  }
0x6e: {  	_ =	shalt  }
0x6f: {  	_ =	shalt  }
0x70: {  	_ =	shalt  }
0x71: {  	_ =	shalt  }
0x72: {  	_ =	shalt  }
0x73: {  	_ =	shalt  }
0x74: {  	_ =	shalt  }
0x75: {  	_ =	shalt  }
0x76: {  	_ =	shalt  }
0x77: {  	_ =	shalt  }
0x78: {  	_ =	shalt  }
0x79: {  	_ =	shalt  }
0x7a: {  	_ =	shalt  }
0x7b: {  	_ =	shalt  }
0x7c: {  	_ =	shalt  }
0x7d: {  	_ =	shalt  }
0x7e: {  	_ =	shalt  }
0x7f: {  	_ =	shalt  }
0x80: {  	_ =	shalt  }
0x81: {  	_ =	shalt  }
0x82: {  	_ =	shalt  }
0x83: {  	_ =	shalt  }
0x84: {  	_ =	shalt  }
0x85: {  	_ =	shalt  }
0x86: {  	_ =	shalt  }
0x87: {  	_ =	shalt  }
.Lfunc_end0:
.L_simem_size_0:
called_computation_lowered:
.L_overlay_start_0:
0x88: {  	s0 =	sld [smem:$0x3FD9]  }
0x89: {  	s1 =	sld [smem:$0x3FFE];
	_ =	sdelay $0x3  }
0x8a: {  	s0 =	sadd.s32 s1, s0  }
0x8b: {  	[smem:$0x3FC5] =	sst s0  }
0x8c: {  	_ = 	snop  }
0x8d: {  	s0 =	sld [smem:$0x3FC9]  }
0x8e: {  	s16 =	sld [smem:$0x3FD0];
	(tm) =	ssettm $0x1  }
0x8f: {  	s2 =	sld [smem:$0x3FFB];
	_ =	sdelay $0x3  }
0x90: {  	_ =	strace s2  }
0x91: {  	s2 =	sld [smem:$0x3FFC];
	_ =	sdelay $0x3  }
0x92: {  	_ =	strace s2  }
0x93: {  	s2 =	sld [smem:$0x3FFD];
	_ =	sdelay $0x3  }
0x94: {  	_ =	strace s2  }
0x95: {  	_ =	strace $0x8FFFFFFF  }
0x96: {  	s17 =	sld [smem:$0x3FDB];
	_ =	sdelay $0x1  }
0x97: {  	s3 =	simm.s32 $_scs_section_size  }
0x98: {  	s4 =	simm.s32 $_size__tile_overlayer_lowered;
	s5 =	simm.s32 $_tile_overlayer_lowered  }
0x99: {  	s20 =	simm.s32 $0x1BFF;
	s19 =	sshll.u32 s5, $0x1;
	s2 =	sadd.s32 s3, s17  }
0x9a: {  	s6 =	simm.s32 $0x0;
	s18 =	sshll.u32 s4, $0x1;
	s4 =	sadd.s32 s19, s2  }
0x9b: {  	[timem:s6], [sflag:s20] =	dma.local [hbm:s4], s18  }
0x9c: {  	_ =	swait.ge [sflag:s20], s18  }
0x9d: {  	s3 =	ssub.s32 $0x0, s18;
	[sflag:s20] =	ssyncset.done $0x0  }
0x9e: {  	[sflag:s20] =	ssyncadd.s32 s3;
	_ =	sdelay $0x1  }
0x9f: {  	s21 =	simm.s32 $0x1B8B  }
0xa0: {  	_ =	swait.ge [sflag:s21], $0x1  }
0xa1: {  	[sflag:s21] =	ssyncset.done $0x0  }
0xa2: {  	s23 =	simm.s32 $0x1B8E;
	s22 =	sld [smem:$0x3FFE];
	[sflag:s21] =	ssyncadd.s32 $0xFFFFFFFF  }
0xa3: {  	s24 =	simm.s32 $execute0_lowered;
	[smem:$0x3FD2] =	sst s23  }
0xa4: {  	s4 =	sshll.u32 s24, $0x1;
	_ =	strace $0x80000046;
	[dreg:$0x1] =	wrdreg $0xFFFFFFFF  }
0xa5: {  	s25 =	simm.s32 $_size_execute0_lowered;
	s2 =	sadd.s32 s2, s4;
	[dreg:$0x0] =	wrdreg $0x0  }
0xa6: {  	s4 =	sshll.u32 s25, $0x1;
	[dreg:$0x2] =	wrdreg s2  }
0xa7: {  	[dreg:$0x3] =	wrdreg s4  }
0xa8: {  	[dreg:$0x4] =	wrdreg $0xC0  }
0xa9: {  	_ =	task [dreg:s6], $0x5FFFF  }
0xaa: {  	[dreg:$0x1] =	wrdreg $0xFFFFFFFF  }
0xab: {  	[dreg:$0x0] =	wrdreg $0x60  }
0xac: {  	[dreg:$0x2] =	wrdreg s0  }
0xad: {  	[dreg:$0x3] =	wrdreg s16  }
0xae: {  	[dreg:$0x4] =	wrdreg s22  }
0xaf: {  	[dreg:$0x5] =	wrdreg $0xB8000  }
0xb0: {  	[dreg:$0x6] =	wrdreg $0x9  }
0xb1: {  	_ =	task.clear_ibuf [dreg:s6], $0x7FFFF;
	_ =	strace $0x90000046  }
0xb2: {  	s26 =	simm.s32 $0x9;
	_ =	strace $0x80000048  }
0xb3: {  	_ =	swait.ge [sflag:s26], $0x1  }
0xb4: {  	[sflag:s26] =	ssyncadd.s32 $0xFFFFFFFF  }
0xb5: {  	_ =	strace $0x90000048  }
0xb6: {  	_ =	sfence  }
0xb7: {  	s28 =	sld [smem:$0x0];
	_ =	sdelay $0x1  }
0xb8: {  	s29 =	srdreg.scid  }
0xb9: {  	s30 =	sshll.u32 s29, $0xD;
	s31 =	sshrl.u32 s29, $0x2  }
0xba: {  	s1 =	sand.u32 $0x1, s29;
	s2 =	sand.u32 $0x4000, s30;
	s0 =	sadd.s32 s31, s28  }
0xbb: {  	s1 =	sor.u32 s2, s1;
	s0 =	sshll.u32 s0, $0x11  }
0xbc: {  	s0 =	sor.u32 s0, s1  }
0xbd: {  	s0 =	sadd.s32 $0x8F2B, s0  }
0xbe: {  	[sflag:s0] =	ssyncadd.remote.s32 $0x1  }
0xbf: {  	_ =	sfence.sel $0xFFFF  }
0xc0: {  	[dreg:$0x0] =	wrdreg $0xFFFFFFFF;
	(pc) =	sbr.abs _section_cstart, $3  }
0xc1: {  	[dreg:$0x1] =	wrdreg $0xFFFFFFFF  }
0xc2: {  	_ =	task.clear_ibuf [dreg:s6], $0x2FFFF;
	_ =	strace $0x9FFFFFFF  }
0xc3: {  	(tm) =	ssettm $0x7FFFFFFF  }
tec
execute0_lowered:
.L_overlay_start_1:
0x0: {  	(tag) =	ssettag $0x1  }
0x1: {  	s4 =	rddreg [dreg:$0x0]  }
0x2: {  	s8 =	rddreg [dreg:$0x1]  }
0x3: {  	s1 =	rddreg [dreg:$0x2]  }
0x4: {  	s3 =	rddreg [dreg:$0x3]  }
0x5: {  	s0 =	rddreg [dreg:$0x4];
	s2 =	simm.s32 $0x0;
	s5 =	simm.s32 $0x0  }
0x6: {  	s6 =	simm.s32 $0x200;
	[smem:$0x7FF] =	sst s2;
	s10 =	sadd.s32 $0x400, s1  }
0x7: {  	v0 =	vimm.f32 $0.0e+00;
	s2 =	sadd.s32 $0xE800, s1;
	s1 =	stileid.u32;
	_ =	strace $0x80000047  }
.LBB2_1:
0x8: {  	p0 =	sne.s32 s6, $0xAE00;
	[tilespmem:s5+$0x870] =	vst v0  }
0x9: {  	[tilespmem:s5+$0x800] =	vst v0  }
0xa: {  	[tilespmem:s5+$0x810] =	vst v0  }
.Ltmp0:
0xb: {  	[tilespmem:s5+$0x820] =	vst v0;
	(pc) =	sbr.rel @p0 .LBB2_1-.Ltmp0, $4  }
0xc: {  	[tilespmem:s5+$0x830] =	vst v0  }
0xd: {  	[tilespmem:s5+$0x840] =	vst v0  }
0xe: {  	[tilespmem:s5+$0x850] =	vst v0  }
0xf: {  	[tilespmem:s5+$0x860] =	vst v0;
	s5 =	sshra.s32 s6, $0x2;
	s6 =	sadd.s32 $0x200, s6  }
0x10: {  	[tilespmem:s5+$0x870] =	vst v0  }
0x11: {  	[tilespmem:s5+$0x800] =	vst v0  }
0x12: {  	[tilespmem:s5+$0x810] =	vst v0  }
0x13: {  	[tilespmem:s5+$0x820] =	vst v0  }
0x14: {  	[tilespmem:s5+$0x830] =	vst v0;
	s6 =	smul.u32 $0x4F000, s1  }
0x15: {  	[tilespmem:s5+$0x840] =	vst v0  }
0x16: {  	[tilespmem:s5+$0x850] =	vst v0;
	s6 =	sshrl.u32 s6, $0x2  }
0x17: {  	[tilespmem:s5+$0x860] =	vst v0;
	s7 =	simm.s32 $0x7;
	s5 =	sadd.s32 s6, s3;
	s6 =	simm.s32 $0x800  }
0x18: {  	[spmem:s5] =	stream.linear.scatter [tilespmem:s6], [sflag:$0x7], $0x2C00, $0x38;
	[tilespmem:$0x1F400] =	vst v63  }
0x19: {  	_ =	swait.ge [sflag:s7], $0x2C00  }
0x1a: {  	[sflag:s7] =	ssyncset.done $0x0  }
0x1b: {  	s9 =	sadd.s32 $0x2C00, s5;
	[sflag:s7] =	ssyncadd.s32 $0xFFFFD400  }
0x1c: {  	[spmem:s9] =	stream.linear.scatter [tilespmem:s6], [sflag:$0x7], $0x2C00, $0x38;
	[tilespmem:$0x1F400] =	vst v63  }
0x1d: {  	_ =	swait.ge [sflag:s7], $0x2C00  }
0x1e: {  	[sflag:s7] =	ssyncset.done $0x0  }
0x1f: {  	s15 =	sadd.s32 $0x5800, s5;
	[sflag:s7] =	ssyncadd.s32 $0xFFFFD400  }
0x20: {  	[spmem:s15] =	stream.linear.scatter [tilespmem:s6], [sflag:$0x7], $0x2C00, $0x38;
	[tilespmem:$0x1F400] =	vst v63  }
0x21: {  	_ =	swait.ge [sflag:s7], $0x2C00  }
0x22: {  	[sflag:s7] =	ssyncset.done $0x0  }
0x23: {  	s16 =	sadd.s32 $0x8400, s5;
	[sflag:s7] =	ssyncadd.s32 $0xFFFFD400  }
0x24: {  	[spmem:s16] =	stream.linear.scatter [tilespmem:s6], [sflag:$0x7], $0x2C00, $0x38;
	[tilespmem:$0x1F400] =	vst v63  }
0x25: {  	_ =	swait.ge [sflag:s7], $0x2C00  }
0x26: {  	[sflag:s7] =	ssyncset.done $0x0  }
0x27: {  	s17 =	sadd.s32 $0xB000, s5;
	[sflag:s7] =	ssyncadd.s32 $0xFFFFD400  }
0x28: {  	[spmem:s17] =	stream.linear.scatter [tilespmem:s6], [sflag:$0x7], $0x2C00, $0x38;
	[tilespmem:$0x1F400] =	vst v63  }
0x29: {  	_ =	swait.ge [sflag:s7], $0x2C00  }
0x2a: {  	[sflag:s7] =	ssyncset.done $0x0  }
0x2b: {  	s18 =	sadd.s32 $0xDC00, s5;
	[sflag:s7] =	ssyncadd.s32 $0xFFFFD400  }
0x2c: {  	[spmem:s18] =	stream.linear.scatter [tilespmem:s6], [sflag:$0x7], $0x2C00, $0x38;
	[tilespmem:$0x1F400] =	vst v63  }
0x2d: {  	_ =	swait.ge [sflag:s7], $0x2C00  }
0x2e: {  	[sflag:s7] =	ssyncset.done $0x0  }
0x2f: {  	s19 =	sadd.s32 $0x10800, s5;
	[sflag:s7] =	ssyncadd.s32 $0xFFFFD400  }
0x30: {  	[spmem:s19] =	stream.linear.scatter [tilespmem:s6], [sflag:$0x7], $0x2C00, $0x38;
	[tilespmem:$0x1F400] =	vst v63  }
0x31: {  	_ =	swait.ge [sflag:s7], $0x2C00  }
0x32: {  	[sflag:s7] =	ssyncset.done $0x0  }
0x33: {  	s20 =	sadd.s32 $0x13400, s5;
	[sflag:s7] =	ssyncadd.s32 $0xFFFFD400  }
0x34: {  	[spmem:s20] =	stream.linear.scatter [tilespmem:s6], [sflag:$0x7], $0x800, $0x38;
	[tilespmem:$0x1F400] =	vst v63  }
0x35: {  	s21 =	smul.u32 $0x7200, s1;
	_ =	swait.ge [sflag:s7], $0x800  }
0x36: {  	[sflag:s7] =	ssyncset.done $0x0  }
0x37: {  	s13 =	sshrl.u32 s21, $0x3;
	[sflag:s7] =	ssyncadd.s32 $0xFFFFF800  }
0x38: {  	s11 =	sadd.s32 s8, s13;
	s9 =	simm.s32 $0x0;
	[bflag:$0x0] =	sbarrier.arrive $0xFFFF  }
0x39: {  	[tilespmem:s9], [sflag:$0x7] =	stream.linear.gather [hbm4b:s11+s9], $0x200, $0x38;
	[tilespmem:$0x1F400] =	vst v63  }
0x3a: {  	_ =	swait.ge [sflag:s7], $0x200  }
0x3b: {  	[sflag:s7] =	ssyncset.done $0x0  }
0x3c: {  	s12 =	simm.s32 $0x200;
	s22 =	sadd.s32 s10, s13;
	[sflag:s7] =	ssyncadd.s32 $0xFFFFFE00  }
0x3d: {  	[tilespmem:s12], [sflag:$0x7] =	stream.linear.gather [hbm4b:s22+s9], $0x200, $0x38;
	[tilespmem:$0x1F400] =	vst v63  }
0x3e: {  	_ =	swait.ge [sflag:s7], $0x200  }
0x3f: {  	s23 =	simm.s32 $0x80;
	[sflag:s7] =	ssyncset.done $0x0  }
0x40: {  	s14 =	simm.s32 $0x3400;
	s11 =	simm.s32 $0x58;
	[sflag:s7] =	ssyncadd.s32 $0xFFFFFE00  }
0x41: {  	[tilespmem:s6], [sflag:$0x1] =	stream.indirect.gather [hbm4b:s4+s11], $0x80, s9, s11, $0xb8;
	[tilespmem:$0x1F400] =	vst v63  }
0x42: {  	s24 =	simm.s32 $0x100;
	s28 =	simm.s32 $0x600;
	s29 =	smul.u32 $0xE40, s1  }
0x43: {  	[tilespmem:s14], [sflag:$0x2] =	stream.indirect.gather [hbm4b:s4+s11], $0x80, s23, s11, $0xb8;
	[tilespmem:$0x1F400] =	vst v63  }
0x44: {  	s30 =	sadd.s32 s29, s10;
	s31 =	sadd.s32 s29, s8;
	s12 =	simm.s32 $0x6000  }
0x45: {  	[tilespmem:s12], [sflag:$0x3] =	stream.indirect.gather [hbm4b:s4+s11], $0x80, s24, s11, $0xb8;
	[tilespmem:$0x1F400] =	vst v63  }
0x46: {  	s25 =	sadd.s32 $0x40, s13;
	s13 =	simm.s32 $0x8C00;
	s15 =	simm.s32 $0x180  }
0x47: {  	[tilespmem:s13], [sflag:$0x4] =	stream.indirect.gather [hbm4b:s4+s11], $0x80, s15, s11, $0xb8;
	[tilespmem:$0x1F400] =	vst v63  }
0x48: {  	s26 =	sadd.s32 s8, s25;
	s8 =	sadd.s32 $0x80, s30;
	s16 =	simm.s32 $0x400  }
0x49: {  	[tilespmem:s16], [sflag:$0x5] =	stream.linear.gather [hbm4b:s26+s9], $0x200, $0x38;
	[tilespmem:$0x1F400] =	vst v63  }
0x4a: {  	s17 =	simm.s32 $0x0;
	s14 =	sadd.s32 s10, s25;
	s10 =	sadd.s32 $0x80, s31  }
0x4b: {  	[tilespmem:s28], [sflag:$0x6] =	stream.linear.gather [hbm4b:s14+s9], $0x200, $0x38;
	[tilespmem:$0x1F400] =	vst v63  }
0x4c: {  	s15 =	simm.s32 $0x3;
	s16 =	simm.s32 $0x4;
	s14 =	simm.s32 $0x1  }
.LBB2_3:
0x4d: {  	p0 =	seq.s32 s9, $0x38  }
0x4e: {  	s18 =	simm.s32 @!p0 $0x5  }
0x4f: {  	_ =	swait.ge @!p0 [sflag:s18], $0x200  }
0x50: {  	[sflag:s18] =	ssyncset.done @!p0 $0x0  }
0x51: {  	[sflag:s18] =	ssyncadd.s32 @!p0 $0xFFFFFE00;
	s18 =	simm.s32 @!p0 $0x6  }
0x52: {  	_ =	swait.ge @!p0 [sflag:s18], $0x200  }
0x53: {  	[sflag:s18] =	ssyncset.done @!p0 $0x0  }
0x54: {  	[sflag:s18] =	ssyncadd.s32 @!p0 $0xFFFFFE00  }
0x55: {  	_ =	swait.ge [sflag:s14], $0x2C00  }
0x56: {  	s18 =	sand.u32 $0x400, s17;
	[sflag:s14] =	ssyncset.done $0x0  }
0x57: {  	s19 =	sor.u32 $0x200, s18;
	[sflag:s14] =	ssyncadd.s32 $0xFFFFD400  }
0x58: {  	[spmem:s3] =	stream.indirect.scatter.add.f32 [tilespmem:s6], [sflag:$0x7], $0x80, s19, s11, $0xb8;
	[tilespmem:$0x1F400] =	vst v63  }
0x59: {  	_ =	swait.ge [sflag:s7], $0x2C00  }
0x5a: {  	[sflag:s7] =	ssyncset.done $0x0  }
0x5b: {  	s20 =	simm.s32 @p0 $0x2;
	[sflag:s7] =	ssyncadd.s32 $0xFFFFD400  }
0x5c: {  	_ =	swait.ge @p0 [sflag:s20], $0x2C00  }
0x5d: {  	s21 =	simm.s32 @p0 $0x58;
	[sflag:s20] =	ssyncset.done @p0 $0x0  }
0x5e: {  	s22 =	simm.s32 @p0 $0x3400;
	[sflag:s20] =	ssyncadd.s32 @p0 $0xFFFFD400;
	s20 =	sadd.s32 @p0 $0x280, s18  }
0x5f: {  	[spmem:s3] =	stream.indirect.scatter.add.f32 @p0 [tilespmem:s22], [sflag:$0x7], $0x80, s20, s21, $0xb8;
	[tilespmem:$0x1F400] =	vst v63  }
0x60: {  	s22 =	simm.s32 @p0 $0x7  }
0x61: {  	s20 =	sadd.s32 $0x1, s9;
	_ =	swait.ge @p0 [sflag:s22], $0x2C00  }
0x62: {  	s23 =	simm.s32 @!p0 $0x58;
	s21 =	sand.u32 $0x1, s20;
	[sflag:s22] =	ssyncset.done @p0 $0x0  }
0x63: {  	s24 =	simm.s32 @!p0 $0x800;
	[sflag:s22] =	ssyncadd.s32 @p0 $0xFFFFD400;
	s22 =	sshll.u32 @!p0 s21, $0xA  }
0x64: {  	[tilespmem:s24], [sflag:$0x1] =	stream.indirect.gather @!p0 [hbm4b:s4+s23], $0x80, s22, s23, $0xb8;
	[tilespmem:$0x1F400] =	vst v63  }
0x65: {  	s24 =	simm.s32 @!p0 $0x2  }
0x66: {  	_ =	swait.ge @!p0 [sflag:s24], $0x2C00  }
0x67: {  	[sflag:s24] =	ssyncset.done @!p0 $0x0  }
0x68: {  	s25 =	simm.s32 @!p0 $0x3400;
	[sflag:s24] =	ssyncadd.s32 @!p0 $0xFFFFD400;
	s24 =	sadd.s32 @!p0 $0x280, s18  }
0x69: {  	[spmem:s3] =	stream.indirect.scatter.add.f32 @!p0 [tilespmem:s25], [sflag:$0x7], $0x80, s24, s23, $0xb8;
	[tilespmem:$0x1F400] =	vst v63  }
0x6a: {  	s24 =	simm.s32 @!p0 $0x7  }
0x6b: {  	_ =	swait.ge @!p0 [sflag:s24], $0x2C00  }
0x6c: {  	[sflag:s24] =	ssyncset.done @!p0 $0x0  }
0x6d: {  	s22 =	sor.u32 @!p0 $0x80, s22;
	[sflag:s24] =	ssyncadd.s32 @!p0 $0xFFFFD400  }
0x6e: {  	[tilespmem:s25], [sflag:$0x2] =	stream.indirect.gather @!p0 [hbm4b:s4+s23], $0x80, s22, s23, $0xb8;
	[tilespmem:$0x1F400] =	vst v63  }
0x6f: {  	_ =	swait.ge [sflag:s15], $0x2C00  }
0x70: {  	p0 =	sne.s32 s9, $0x38;
	[sflag:s15] =	ssyncset.done $0x0  }
.Ltmp1:
0x71: {  	s31 =	sadd.s32 $0x300, s18;
	[sflag:s15] =	ssyncadd.s32 $0xFFFFD400;
	(pc) =	sbr.rel @!p0 .LBB2_4-.Ltmp1, $4  }
0x72: {  	[spmem:s3] =	stream.indirect.scatter.add.f32 [tilespmem:s12], [sflag:$0x7], $0x80, s31, s11, $0xb8;
	[tilespmem:$0x1F400] =	vst v63  }
0x73: {  	_ =	swait.ge [sflag:s7], $0x2C00  }
0x74: {  	[sflag:s7] =	ssyncset.done $0x0  }
0x75: {  	[sflag:s7] =	ssyncadd.s32 $0xFFFFD400  }
0x76: {  	s21 =	sshll.u32 s21, $0xA  }
0x77: {  	s22 =	sor.u32 $0x100, s21  }
0x78: {  	[tilespmem:s12], [sflag:$0x3] =	stream.indirect.gather [hbm4b:s4+s11], $0x80, s22, s11, $0xb8;
	[tilespmem:$0x1F400] =	vst v63  }
0x79: {  	_ =	swait.ge [sflag:s16], $0x2C00  }
0x7a: {  	[sflag:s16] =	ssyncset.done $0x0  }
0x7b: {  	s31 =	sadd.s32 $0x380, s18;
	[sflag:s16] =	ssyncadd.s32 $0xFFFFD400  }
0x7c: {  	[spmem:s3] =	stream.indirect.scatter.add.f32 [tilespmem:s13], [sflag:$0x7], $0x80, s31, s11, $0xb8;
	[tilespmem:$0x1F400] =	vst v63  }
0x7d: {  	_ =	swait.ge [sflag:s7], $0x2C00  }
0x7e: {  	[sflag:s7] =	ssyncset.done $0x0  }
0x7f: {  	p0 =	sgt.u32 s9, $0x36;
	s21 =	sor.u32 $0x180, s21;
	[sflag:s7] =	ssyncadd.s32 $0xFFFFD400  }
0x80: {  	[tilespmem:s13], [sflag:$0x4] =	stream.indirect.gather [hbm4b:s4+s11], $0x80, s21, s11, $0xb8;
	[tilespmem:$0x1F400] =	vst v63  }
0x81: {  	s9 =	simm.s32 @!p0 $0x0  }
0x82: {  	[tilespmem:s18], [sflag:$0x5] =	stream.linear.gather @!p0 [hbm4b:s10+s9], $0x200, $0x38;
	[tilespmem:$0x1F400] =	vst v63  }
0x83: {  	_ = 	snop  }
0x84: {  	[tilespmem:s19], [sflag:$0x6] =	stream.linear.gather @!p0 [hbm4b:s8+s9], $0x200, $0x38;
	[tilespmem:$0x1F400] =	vst v63  }
0x85: {  	p0 =	sne.s32 s20, $0x39  }
.Ltmp2:
0x86: {  	_ = 	snop;
	(pc) =	sbr.rel @p0 .LBB2_3-.Ltmp2, $4  }
.Ltmp3:
0x87: {  	_ = 	snop;
	(pc) =	sbr.rel @!p0 .LBB2_6-.Ltmp3, $4  }
0x88: {  	_ = 	snop  }
0x89: {  	s17 =	sadd.s32 $0x400, s17  }
0x8a: {  	s10 =	sadd.s32 $0x40, s10;
	s8 =	sadd.s32 $0x40, s8;
	s9 =	smov.u32 s20  }
0x8b: {  	_ = 	snop  }
.LBB2_4:
0x8c: {  	s4 =	simm.s32 $0x4  }
0x8d: {  	_ =	swait.ge [sflag:s4], $0x2C00  }
0x8e: {  	s30 =	sadd.s32 $0x380, s18;
	s6 =	simm.s32 $0x58;
	[sflag:s4] =	ssyncset.done $0x0  }
0x8f: {  	s7 =	simm.s32 $0x8C00;
	s31 =	simm.s32 $0x7;
	[sflag:s4] =	ssyncadd.s32 $0xFFFFD400  }
0x90: {  	[spmem:s3] =	stream.indirect.scatter.add.f32 [tilespmem:s7], [sflag:$0x7], $0x80, s30, s6, $0xb8;
	[tilespmem:$0x1F400] =	vst v63  }
0x91: {  	_ =	swait.ge [sflag:s31], $0x2C00  }
0x92: {  	[sflag:s31] =	ssyncset.done $0x0  }
0x93: {  	[sflag:s31] =	ssyncadd.s32 $0xFFFFD400  }
.LBB2_6:
0x94: {  	s3 =	smul.u32 $0x2780, s1  }
0x95: {  	s30 =	sshll.u32 s1, $0x6;
	[bflag:$0x0] =	sbarrier.arrive $0xFFFF;
	s4 =	sshrl.u32 s5, $0x3  }
0x96: {  	s31 =	simm.s32 $0x7;
	s2 =	sadd.s32 s2, s3;
	s3 =	sor.u32 $0x1C07, s30  }
0x97: {  	[hbm:s2], [sflag:s3] =	dma.local [spmem:s4], $0x2780  }
0x98: {  	_ =	swait.ge [sflag:s31], $0x2780  }
0x99: {  	[sflag:s31] =	ssyncset.done $0x0  }
0x9a: {  	[sflag:s31] =	ssyncadd.s32 $0xFFFFD880  }
0x9b: {  	_ =	sfence.sel $0x180000  }
0x9c: {  	[bflag:$0x0] =	sbarrier.arrive $0xFFFF  }
0x9d: {  	p0 =	sne.s32 s1, $0x0;
	_ =	strace $0x90000047  }
0x9e: {  	s0 =	sadd.s32 @!p0 $0x100000, s0;
	[bflag:$0x2] =	sbarrier.arrive $0xFFFF  }
0x9f: {  	[sflag:s0] =	ssyncadd.tile.s32 @!p0 $0x1;
	_ =	shalt  }
.Lfunc_end2:
_tile_overlayer_lowered:
.L_overlay_start_2:
0xa0: {  	(tag) =	ssettag $0x2  }
0xa1: {  	s0 =	rddreg [dreg:$0x0];
	s2 =	stileid.u32  }
0xa2: {  	s1 =	rddreg [dreg:$0x1];
	p0 =	sne.s32 s2, $0x0  }
0xa3: {  	s3 =	rddreg [dreg:$0x2];
	[bflag:$0x3] =	sbarrier.arrive $0xFFFF;
	s2 =	simm.s32 @!p0 $0x1C07  }
0xa4: {  	[timem:s3], [sflag:s2] =	dma.local @!p0 [hbm:s0], s1  }
0xa5: {  	s0 =	simm.s32 @!p0 $0x7  }
0xa6: {  	_ =	swait.ge @!p0 [sflag:s0], s1  }
0xa7: {  	s1 =	ssub.s32 @!p0 $0x0, s1;
	[sflag:s0] =	ssyncset.done @!p0 $0x0  }
0xa8: {  	[sflag:s0] =	ssyncadd.s32 @!p0 s1  }
0xa9: {  	[bflag:$0x3] =	sbarrier.arrive $0xFFFF  }
0xaa: {  	_ =	shalt  }

</sc_bundles>
